<compile_context>
chip_gen: v7x
topology: tpu7x:2x2x1
jax: 0.10.2.dev20260603
libtpu: 0.0.44.dev20260713+nightly
codegen_flags: <defaults>
</compile_context>

<pallas_src>
import functools

import jax
import jax.numpy as jnp
from jax import lax
from jax.experimental import pallas as pl
from jax.experimental.pallas import tpu as pltpu
from jax.experimental.pallas import tpu_sc as plsc

D = 128
DG = 8
NC = 2
NS = 16
NW = NC * NS
CH = 80
NB = 3


def _sc_aggregate(x, e4, ones_rows, zf, zd):
    nch = e4.shape[2]
    NP = zf.shape[0] * NS
    rpt = NP // NS

    mesh = plsc.VectorSubcoreMesh(
        core_axis_name="c", subcore_axis_name="s", num_cores=NC, num_subcores=NS
    )

    @functools.partial(
        pl.kernel,
        out_type=(
            jax.ShapeDtypeStruct((NC, NP, D), jnp.float32),
            jax.ShapeDtypeStruct((NC, NP, DG), jnp.float32),
        ),
        mesh=mesh,
        scratch_types=[
            pltpu.VMEM_SHARED((NP, D), jnp.float32),
            pltpu.VMEM_SHARED((NP, DG), jnp.float32),
            pltpu.VMEM((nch, CH), jnp.int32),
            pltpu.VMEM((CH, DG), jnp.float32),
        ]
        + [pltpu.VMEM((CH,), jnp.int32) for _ in range(NB)]
        + [pltpu.VMEM((CH, D), jnp.float32) for _ in range(NB)]
        + [pltpu.SemaphoreType.DMA for _ in range(4 * NB)],
        compiler_params=pltpu.CompilerParams(use_tc_tiling_on_sc=False),
    )
    def agg(x_hbm, e_hbm, ones_hbm, zf_hbm, zd_hbm, of_hbm, od_hbm,
            facc, dacc, idx_d, ones_v, *rest):
        sbuf = rest[:NB]
        rows = rest[NB:2 * NB]
        isem = rest[2 * NB:3 * NB]
        gsem = rest[3 * NB:4 * NB]
        fsem = rest[4 * NB:5 * NB]
        dsem = rest[5 * NB:6 * NB]
        c = lax.axis_index("c")
        s = lax.axis_index("s")
        wid = c * NS + s
        r0 = s * rpt
        pltpu.sync_copy(zf_hbm, facc.at[pl.ds(r0, rpt)])
        pltpu.sync_copy(zd_hbm, dacc.at[pl.ds(r0, rpt)])
        pltpu.sync_copy(e_hbm.at[1, wid], idx_d)
        pltpu.sync_copy(ones_hbm, ones_v)
        for b in range(NB):
            pltpu.sync_copy(e_hbm.at[0, wid, b], sbuf[b])
        pltpu.async_copy(x_hbm.at[sbuf[0]], rows[0], gsem[0])
        pltpu.async_copy(x_hbm.at[sbuf[1]], rows[1], gsem[1])
        pltpu.async_copy(x_hbm.at[sbuf[2]], rows[2], gsem[2])
        plsc.subcore_barrier()

        def wait_gather(b, i):
            pltpu.make_async_copy(x_hbm.at[sbuf[b]], rows[b], gsem[b]).wait()

        def start_scatter(b, i):
            pltpu.async_copy(rows[b], facc.at[idx_d.at[i]], fsem[b], add=True)
            pltpu.async_copy(ones_v, dacc.at[idx_d.at[i]], dsem[b], add=True)

        def wait_scatter(b, i):
            pltpu.make_async_copy(rows[b], facc.at[idx_d.at[i]],
                                  fsem[b]).wait()
            pltpu.make_async_copy(ones_v, dacc.at[idx_d.at[i]],
                                  dsem[b]).wait()

        def start_fetch(b, i):
            pltpu.async_copy(e_hbm.at[0, wid, i], sbuf[b], isem[b])

        def wait_fetch(b, i):
            pltpu.make_async_copy(e_hbm.at[0, wid, i], sbuf[b],
                                  isem[b]).wait()

        def sub(i, b):
            wait_gather(b, i)
            start_scatter(b, i)

            @pl.when(i + NB < nch)
            def _():
                start_fetch(b, i + NB)

            @pl.when(i + 2 < nch)
            def _():
                b2 = (b + 2) % NB
                wait_fetch(b2, i + 2)
                wait_scatter((b - 1) % NB, i - 1)
                pltpu.async_copy(x_hbm.at[sbuf[b2]], rows[b2], gsem[b2])

        wait_gather(0, 0)
        start_scatter(0, 0)
        start_fetch(0, NB)

        def outer(k, carry):
            i = NB * k + 1
            sub(i, 1)
            sub(i + 1, 2)
            sub(i + 2, 0)
            return carry

        lax.fori_loop(0, (nch - 2) // NB, outer, 0)
        bl = (nch - 1) % NB
        wait_gather(bl, nch - 1)
        start_scatter(bl, nch - 1)
        for i in (nch - 3, nch - 2, nch - 1):
            wait_scatter(i % NB, i)
        plsc.subcore_barrier()
        pltpu.sync_copy(facc.at[pl.ds(r0, rpt)], of_hbm.at[c, pl.ds(r0, rpt)])
        pltpu.sync_copy(dacc.at[pl.ds(r0, rpt)], od_hbm.at[c, pl.ds(r0, rpt)])

    return agg(x, e4, ones_rows, zf, zd)


def _tc_combine(hn, x, W_self, b_self, W_neigh, b_neigh, bias):
    N = x.shape[0]
    BL = 1000
    grid = (N // BL,)

    def body(hn_ref, x_ref, ws_ref, bs_ref, wn_ref, bn_ref, b_ref, o_ref):
        h_self = lax.dot_general(
            x_ref[...], ws_ref[...], (((1,), (1,)), ((), ())),
            preferred_element_type=jnp.float32,
        ) + bs_ref[...]
        h_neigh = lax.dot_general(
            hn_ref[...], wn_ref[...], (((1,), (1,)), ((), ())),
            preferred_element_type=jnp.float32,
        ) + bn_ref[...]
        o_ref[...] = (h_self + h_neigh) * 0.5 + b_ref[...]

    blk = lambda shape: pl.BlockSpec(shape, lambda i: (0,) * len(shape))
    return pl.pallas_call(
        body,
        grid=grid,
        in_specs=[
            pl.BlockSpec((BL, D), lambda i: (i, 0)),
            pl.BlockSpec((BL, D), lambda i: (i, 0)),
            blk((D, D)),
            blk((1, D)),
            blk((D, D)),
            blk((1, D)),
            blk((1, D)),
        ],
        out_specs=pl.BlockSpec((BL, D), lambda i: (i, 0)),
        out_shape=jax.ShapeDtypeStruct((N, D), jnp.float32),
    )(hn, x, W_self, b_self.reshape(1, D), W_neigh,
      b_neigh.reshape(1, D), bias.reshape(1, D))


def kernel(batch_input_feats, batch_input_labels, batch_input_labels_ori,
           batch_cent_feats, batch_cent_labels, batch_cent_labels_ori,
           W_self, b_self, W_neigh, b_neigh, bias, edge_index):
    x = batch_input_feats
    N = x.shape[0]
    E = edge_index.shape[1]
    epw = E // NW
    e4 = edge_index.reshape(2, NW, epw // CH, CH)
    np_rows = ((N + 8 * NS - 1) // (8 * NS)) * 8 * NS
    zf = jnp.zeros((np_rows // NS, D), jnp.float32)
    zd = jnp.zeros((np_rows // NS, DG), jnp.float32)
    ones_rows = jnp.full((CH, DG), 1.0 / DG, jnp.float32)
    feats, degs = _sc_aggregate(x, e4, ones_rows, zf, zd)
    inv = 1.0 / jnp.maximum(degs.sum(axis=(0, 2)), 1.0)
    hn = (feats[0] + feats[1]) * inv[:, None]
    return _tc_combine(hn, x, W_self, b_self, W_neigh, b_neigh, bias)

# --- scband reference (transcript-rebuilt; emitter-appended) ---
"""Pipeline reference for scband-sageconv-da-8040178778268 (READ-ONLY COPY).

The authoritative reference and input builder live on the scoring server;
editing this copy changes nothing except your own understanding.
"""

import jax, jax.numpy as jnp
import numpy as np


def setup_inputs(seed: int = 0) -> dict:
    key = jax.random.key(seed)
    ks = jax.random.split(key, 12)
    N = 10000; E = 320000; D = 128; L = 10
    x = jax.random.normal(ks[0], (N, D), dtype=jnp.float32)
    edge_index = jax.random.randint(ks[1], (2, E), 0, N, dtype=jnp.int32)
    labels = jax.random.uniform(ks[2], (N, L), dtype=jnp.float32)
    labels_ori = jax.random.uniform(ks[3], (N, L), dtype=jnp.float32)
    cent_feats = jax.random.normal(ks[4], (N, D), dtype=jnp.float32)
    cent_labels = jax.random.uniform(ks[5], (N, L), dtype=jnp.float32)
    cent_labels_ori = jax.random.uniform(ks[6], (N, L), dtype=jnp.float32)
    gain = float(np.sqrt(2.0))  # calculate_gain('relu')
    lim = gain * float(np.sqrt(6.0 / (D + D)))
    W_self = jax.random.uniform(ks[7], (D, D), dtype=jnp.float32, minval=-lim, maxval=lim)
    b_self = jnp.zeros((D,), jnp.float32)
    W_neigh = jax.random.uniform(ks[8], (D, D), dtype=jnp.float32, minval=-lim, maxval=lim)
    b_neigh = jnp.zeros((D,), jnp.float32)
    bias = jnp.zeros((D,), jnp.float32)
    return {"batch_input_feats": x, "batch_input_labels": labels, "batch_input_labels_ori": labels_ori, "batch_cent_feats": cent_feats, "batch_cent_labels": cent_labels, "batch_cent_labels_ori": cent_labels_ori, "W_self": W_self, "b_self": b_self, "W_neigh": W_neigh, "b_neigh": b_neigh, "bias": bias, "edge_index": edge_index}


def reference(batch_input_feats, batch_input_labels, batch_input_labels_ori, batch_cent_feats, batch_cent_labels, batch_cent_labels_ori, W_self, b_self, W_neigh, b_neigh, bias, edge_index):
    # SAGEConv_DA forward, aggregator_type='mean', feat_drop=0 (eval), non-block graph.
    # lin_before_mp = (in_feats > out_feats) = (128 > 128) = False, so fc_neigh applied AFTER mean aggregation.
    x = batch_input_feats
    src = edge_index[0]
    dst = edge_index[1]
    N = x.shape[0]
    # message passing: copy_src('h','m') then fn.mean('m','neigh')
    msgs = jnp.take(x, src, axis=0)                                   # gather  [E, D]
    summ = jax.ops.segment_sum(msgs, dst, num_segments=N)             # scatter-add [N, D]
    deg = jax.ops.segment_sum(jnp.ones((msgs.shape[0],), jnp.float32), dst, num_segments=N)
    h_neigh = summ / jnp.maximum(deg, 1.0)[:, None]                   # zero-degree nodes stay 0 (DGL semantics)
    h_neigh = h_neigh @ W_neigh.T + b_neigh                           # fc_neigh
    h_self = x @ W_self.T + b_self                                    # fc_self (feat_dst == feat_src, non-block)
    rst = (h_self + h_neigh) / 2.0
    rst = rst + bias                                                  # bias param (zeros-init)
    # norm=None, activation=None
    return rst

if __name__ == "__main__":
    import jax
    _d = setup_inputs()
    print(jax.jit(kernel)(*tuple(_d.values())))

</pallas_src>

<mosaic_0001>
#map = affine_map<(d0, d1) -> (0, 0)>
#map1 = affine_map<(d0, d1) -> (0, 0, 0, 0)>
#map2 = affine_map<(d0, d1) -> (0, 0, 0)>
module attributes {stable_mosaic.version = 14 : i64} {
  func.func @agg(%arg0: i32, %arg1: i32, %arg2: memref<10000x128xf32, #tpu.memory_space<hbm>>, %arg3: memref<2x32x125x80xi32, #tpu.memory_space<hbm>>, %arg4: memref<80x8xf32, #tpu.memory_space<hbm>>, %arg5: memref<632x128xf32, #tpu.memory_space<hbm>>, %arg6: memref<632x8xf32, #tpu.memory_space<hbm>>, %arg7: memref<2x10112x128xf32, #tpu.memory_space<hbm>>, %arg8: memref<2x10112x8xf32, #tpu.memory_space<hbm>>, %arg9: memref<10112x128xf32, #tpu.memory_space<vmem_shared>>, %arg10: memref<10112x8xf32, #tpu.memory_space<vmem_shared>>, %arg11: memref<125x80xi32, #tpu.memory_space<vmem>>, %arg12: memref<80x8xf32, #tpu.memory_space<vmem>>, %arg13: memref<80xi32, #tpu.memory_space<vmem>>, %arg14: memref<80xi32, #tpu.memory_space<vmem>>, %arg15: memref<80xi32, #tpu.memory_space<vmem>>, %arg16: memref<80x128xf32, #tpu.memory_space<vmem>>, %arg17: memref<80x128xf32, #tpu.memory_space<vmem>>, %arg18: memref<80x128xf32, #tpu.memory_space<vmem>>, %arg19: memref<!tpu.dma_semaphore, #tpu.memory_space<semaphore_mem>>, %arg20: memref<!tpu.dma_semaphore, #tpu.memory_space<semaphore_mem>>, %arg21: memref<!tpu.dma_semaphore, #tpu.memory_space<semaphore_mem>>, %arg22: memref<!tpu.dma_semaphore, #tpu.memory_space<semaphore_mem>>, %arg23: memref<!tpu.dma_semaphore, #tpu.memory_space<semaphore_mem>>, %arg24: memref<!tpu.dma_semaphore, #tpu.memory_space<semaphore_mem>>, %arg25: memref<!tpu.dma_semaphore, #tpu.memory_space<semaphore_mem>>, %arg26: memref<!tpu.dma_semaphore, #tpu.memory_space<semaphore_mem>>, %arg27: memref<!tpu.dma_semaphore, #tpu.memory_space<semaphore_mem>>, %arg28: memref<!tpu.dma_semaphore, #tpu.memory_space<semaphore_mem>>, %arg29: memref<!tpu.dma_semaphore, #tpu.memory_space<semaphore_mem>>, %arg30: memref<!tpu.dma_semaphore, #tpu.memory_space<semaphore_mem>>) attributes {dimension_semantics = [#tpu.dimension_semantics<core_parallel>, #tpu.dimension_semantics<subcore_parallel>], iteration_bounds = array<i64: 2, 16>, scalar_prefetch = 0 : i64, scratch_operands = 22 : i64, tpu.core_type = #tpu.core_type<sc_vector_subcore>, window_params = [{transform_indices = #map}, {transform_indices = #map1}, {transform_indices = #map}, {transform_indices = #map}, {transform_indices = #map}, {transform_indices = #map2}, {transform_indices = #map2}]} {
    %mul3A = arith.constant 16 : i32
    %mul3A_0 = arith.muli %arg0, %mul3A : i32
    %add3A = arith.addi %mul3A_0, %arg1 : i32
    %mul3A_1 = arith.constant 632 : i32
    %mul3A_2 = arith.muli %arg1, %mul3A_1 : i32
    "tpu.region"() ({
      %run_scoped3A_106 = tpu.sem_alloc : memref<!tpu.dma_semaphore, #tpu.memory_space<semaphore_mem>>
      %dma_start3A_107 = arith.constant 0 : i32
      %dma_start3A_108 = tpu.memref_slice %arg9[%mul3A_2, %dma_start3A_107] : memref<10112x128xf32, #tpu.memory_space<vmem_shared>> -> memref<632x128xf32, #tpu.memory_space<vmem_shared>>
      tpu.enqueue_dma source(%arg5 : memref<632x128xf32, #tpu.memory_space<hbm>>) target(%dma_start3A_108 : memref<632x128xf32, #tpu.memory_space<vmem_shared>>) target_semaphore(%run_scoped3A_106 : memref<!tpu.dma_semaphore, #tpu.memory_space<semaphore_mem>>)
      %dma_wait3A_109 = arith.constant 0 : i32
      %dma_wait3A_110 = tpu.memref_slice %arg9[%mul3A_2, %dma_wait3A_109] : memref<10112x128xf32, #tpu.memory_space<vmem_shared>> -> memref<632x128xf32, #tpu.memory_space<vmem_shared>>
      tpu.wait_dma2 semaphore(%run_scoped3A_106 : memref<!tpu.dma_semaphore, #tpu.memory_space<semaphore_mem>>) src(%arg5 : memref<632x128xf32, #tpu.memory_space<hbm>>) dst(%dma_wait3A_110 : memref<632x128xf32, #tpu.memory_space<vmem_shared>>)
      tpu.yield
    }) : () -> ()
    "tpu.region"() ({
      %run_scoped3A_106 = tpu.sem_alloc : memref<!tpu.dma_semaphore, #tpu.memory_space<semaphore_mem>>
      %dma_start3A_107 = arith.constant 0 : i32
      %dma_start3A_108 = tpu.memref_slice %arg10[%mul3A_2, %dma_start3A_107] : memref<10112x8xf32, #tpu.memory_space<vmem_shared>> -> memref<632x8xf32, #tpu.memory_space<vmem_shared>>
      tpu.enqueue_dma source(%arg6 : memref<632x8xf32, #tpu.memory_space<hbm>>) target(%dma_start3A_108 : memref<632x8xf32, #tpu.memory_space<vmem_shared>>) target_semaphore(%run_scoped3A_106 : memref<!tpu.dma_semaphore, #tpu.memory_space<semaphore_mem>>)
      %dma_wait3A_109 = arith.constant 0 : i32
      %dma_wait3A_110 = tpu.memref_slice %arg10[%mul3A_2, %dma_wait3A_109] : memref<10112x8xf32, #tpu.memory_space<vmem_shared>> -> memref<632x8xf32, #tpu.memory_space<vmem_shared>>
      tpu.wait_dma2 semaphore(%run_scoped3A_106 : memref<!tpu.dma_semaphore, #tpu.memory_space<semaphore_mem>>) src(%arg6 : memref<632x8xf32, #tpu.memory_space<hbm>>) dst(%dma_wait3A_110 : memref<632x8xf32, #tpu.memory_space<vmem_shared>>)
      tpu.yield
    }) : () -> ()
    %run_scoped3A = arith.constant 1 : i32
    "tpu.region"() ({
      %run_scoped3A_106 = tpu.sem_alloc : memref<!tpu.dma_semaphore, #tpu.memory_space<semaphore_mem>>
      %dma_start3A_107 = arith.constant 0 : i32
      %dma_start3A_108 = arith.constant 0 : i32
      %dma_start3A_109 = tpu.memref_slice %arg3[%run_scoped3A, %add3A, %dma_start3A_107, %dma_start3A_108] : memref<2x32x125x80xi32, #tpu.memory_space<hbm>> -> memref<1x1x125x80xi32, #tpu.memory_space<hbm>>
      %dma_start3A_110 = tpu.memref_squeeze %dma_start3A_109 : memref<1x1x125x80xi32, #tpu.memory_space<hbm>> -> memref<125x80xi32, #tpu.memory_space<hbm>>
      %dma_start3A_111 = arith.constant 0 : i32
      %dma_start3A_112 = arith.constant 0 : i32
      %dma_start3A_113 = tpu.memref_slice %arg3[%run_scoped3A, %add3A, %dma_start3A_111, %dma_start3A_112] : memref<2x32x125x80xi32, #tpu.memory_space<hbm>> -> memref<1x1x125x80xi32, #tpu.memory_space<hbm>>
      %dma_start3A_114 = tpu.memref_squeeze %dma_start3A_113 : memref<1x1x125x80xi32, #tpu.memory_space<hbm>> -> memref<125x80xi32, #tpu.memory_space<hbm>>
      tpu.enqueue_dma source(%dma_start3A_114 : memref<125x80xi32, #tpu.memory_space<hbm>>) target(%arg11 : memref<125x80xi32, #tpu.memory_space<vmem>>) target_semaphore(%run_scoped3A_106 : memref<!tpu.dma_semaphore, #tpu.memory_space<semaphore_mem>>)
      %dma_wait3A_115 = arith.constant 0 : i32
      %dma_wait3A_116 = arith.constant 0 : i32
      %dma_wait3A_117 = tpu.memref_slice %arg3[%run_scoped3A, %add3A, %dma_wait3A_115, %dma_wait3A_116] : memref<2x32x125x80xi32, #tpu.memory_space<hbm>> -> memref<1x1x125x80xi32, #tpu.memory_space<hbm>>
      %dma_wait3A_118 = tpu.memref_squeeze %dma_wait3A_117 : memref<1x1x125x80xi32, #tpu.memory_space<hbm>> -> memref<125x80xi32, #tpu.memory_space<hbm>>
      %dma_wait3A_119 = arith.constant 0 : i32
      %dma_wait3A_120 = arith.constant 0 : i32
      %dma_wait3A_121 = tpu.memref_slice %arg3[%run_scoped3A, %add3A, %dma_wait3A_119, %dma_wait3A_120] : memref<2x32x125x80xi32, #tpu.memory_space<hbm>> -> memref<1x1x125x80xi32, #tpu.memory_space<hbm>>
      %dma_wait3A_122 = tpu.memref_squeeze %dma_wait3A_121 : memref<1x1x125x80xi32, #tpu.memory_space<hbm>> -> memref<125x80xi32, #tpu.memory_space<hbm>>
      tpu.wait_dma2 semaphore(%run_scoped3A_106 : memref<!tpu.dma_semaphore, #tpu.memory_space<semaphore_mem>>) src(%dma_wait3A_122 : memref<125x80xi32, #tpu.memory_space<hbm>>) dst(%arg11 : memref<125x80xi32, #tpu.memory_space<vmem>>)
      tpu.yield
    }) : () -> ()
    "tpu.region"() ({
      %run_scoped3A_106 = tpu.sem_alloc : memref<!tpu.dma_semaphore, #tpu.memory_space<semaphore_mem>>
      tpu.enqueue_dma source(%arg4 : memref<80x8xf32, #tpu.memory_space<hbm>>) target(%arg12 : memref<80x8xf32, #tpu.memory_space<vmem>>) target_semaphore(%run_scoped3A_106 : memref<!tpu.dma_semaphore, #tpu.memory_space<semaphore_mem>>)
      tpu.wait_dma2 semaphore(%run_scoped3A_106 : memref<!tpu.dma_semaphore, #tpu.memory_space<semaphore_mem>>) src(%arg4 : memref<80x8xf32, #tpu.memory_space<hbm>>) dst(%arg12 : memref<80x8xf32, #tpu.memory_space<vmem>>)
      tpu.yield
    }) : () -> ()
    %run_scoped3A_3 = arith.constant 0 : i32
    %run_scoped3A_4 = arith.constant 0 : i32
    "tpu.region"() ({
      %run_scoped3A_106 = tpu.sem_alloc : memref<!tpu.dma_semaphore, #tpu.memory_space<semaphore_mem>>
      %dma_start3A_107 = arith.constant 0 : i32
      %dma_start3A_108 = tpu.memref_slice %arg3[%run_scoped3A_3, %add3A, %run_scoped3A_4, %dma_start3A_107] : memref<2x32x125x80xi32, #tpu.memory_space<hbm>> -> memref<1x1x1x80xi32, #tpu.memory_space<hbm>>
      %dma_start3A_109 = tpu.memref_squeeze %dma_start3A_108 : memref<1x1x1x80xi32, #tpu.memory_space<hbm>> -> memref<80xi32, #tpu.memory_space<hbm>>
      %dma_start3A_110 = arith.constant 0 : i32
      %dma_start3A_111 = tpu.memref_slice %arg3[%run_scoped3A_3, %add3A, %run_scoped3A_4, %dma_start3A_110] : memref<2x32x125x80xi32, #tpu.memory_space<hbm>> -> memref<1x1x1x80xi32, #tpu.memory_space<hbm>>
      %dma_start3A_112 = tpu.memref_squeeze %dma_start3A_111 : memref<1x1x1x80xi32, #tpu.memory_space<hbm>> -> memref<80xi32, #tpu.memory_space<hbm>>
      tpu.enqueue_dma source(%dma_start3A_112 : memref<80xi32, #tpu.memory_space<hbm>>) target(%arg13 : memref<80xi32, #tpu.memory_space<vmem>>) target_semaphore(%run_scoped3A_106 : memref<!tpu.dma_semaphore, #tpu.memory_space<semaphore_mem>>)
      %dma_wait3A_113 = arith.constant 0 : i32
      %dma_wait3A_114 = tpu.memref_slice %arg3[%run_scoped3A_3, %add3A, %run_scoped3A_4, %dma_wait3A_113] : memref<2x32x125x80xi32, #tpu.memory_space<hbm>> -> memref<1x1x1x80xi32, #tpu.memory_space<hbm>>
      %dma_wait3A_115 = tpu.memref_squeeze %dma_wait3A_114 : memref<1x1x1x80xi32, #tpu.memory_space<hbm>> -> memref<80xi32, #tpu.memory_space<hbm>>
      %dma_wait3A_116 = arith.constant 0 : i32
      %dma_wait3A_117 = tpu.memref_slice %arg3[%run_scoped3A_3, %add3A, %run_scoped3A_4, %dma_wait3A_116] : memref<2x32x125x80xi32, #tpu.memory_space<hbm>> -> memref<1x1x1x80xi32, #tpu.memory_space<hbm>>
      %dma_wait3A_118 = tpu.memref_squeeze %dma_wait3A_117 : memref<1x1x1x80xi32, #tpu.memory_space<hbm>> -> memref<80xi32, #tpu.memory_space<hbm>>
      tpu.wait_dma2 semaphore(%run_scoped3A_106 : memref<!tpu.dma_semaphore, #tpu.memory_space<semaphore_mem>>) src(%dma_wait3A_118 : memref<80xi32, #tpu.memory_space<hbm>>) dst(%arg13 : memref<80xi32, #tpu.memory_space<vmem>>)
      tpu.yield
    }) : () -> ()
    %run_scoped3A_5 = arith.constant 0 : i32
    %run_scoped3A_6 = arith.constant 1 : i32
    "tpu.region"() ({
      %run_scoped3A_106 = tpu.sem_alloc : memref<!tpu.dma_semaphore, #tpu.memory_space<semaphore_mem>>
      %dma_start3A_107 = arith.constant 0 : i32
      %dma_start3A_108 = tpu.memref_slice %arg3[%run_scoped3A_5, %add3A, %run_scoped3A_6, %dma_start3A_107] : memref<2x32x125x80xi32, #tpu.memory_space<hbm>> -> memref<1x1x1x80xi32, #tpu.memory_space<hbm>>
      %dma_start3A_109 = tpu.memref_squeeze %dma_start3A_108 : memref<1x1x1x80xi32, #tpu.memory_space<hbm>> -> memref<80xi32, #tpu.memory_space<hbm>>
      %dma_start3A_110 = arith.constant 0 : i32
      %dma_start3A_111 = tpu.memref_slice %arg3[%run_scoped3A_5, %add3A, %run_scoped3A_6, %dma_start3A_110] : memref<2x32x125x80xi32, #tpu.memory_space<hbm>> -> memref<1x1x1x80xi32, #tpu.memory_space<hbm>>
      %dma_start3A_112 = tpu.memref_squeeze %dma_start3A_111 : memref<1x1x1x80xi32, #tpu.memory_space<hbm>> -> memref<80xi32, #tpu.memory_space<hbm>>
      tpu.enqueue_dma source(%dma_start3A_112 : memref<80xi32, #tpu.memory_space<hbm>>) target(%arg14 : memref<80xi32, #tpu.memory_space<vmem>>) target_semaphore(%run_scoped3A_106 : memref<!tpu.dma_semaphore, #tpu.memory_space<semaphore_mem>>)
      %dma_wait3A_113 = arith.constant 0 : i32
      %dma_wait3A_114 = tpu.memref_slice %arg3[%run_scoped3A_5, %add3A, %run_scoped3A_6, %dma_wait3A_113] : memref<2x32x125x80xi32, #tpu.memory_space<hbm>> -> memref<1x1x1x80xi32, #tpu.memory_space<hbm>>
      %dma_wait3A_115 = tpu.memref_squeeze %dma_wait3A_114 : memref<1x1x1x80xi32, #tpu.memory_space<hbm>> -> memref<80xi32, #tpu.memory_space<hbm>>
      %dma_wait3A_116 = arith.constant 0 : i32
      %dma_wait3A_117 = tpu.memref_slice %arg3[%run_scoped3A_5, %add3A, %run_scoped3A_6, %dma_wait3A_116] : memref<2x32x125x80xi32, #tpu.memory_space<hbm>> -> memref<1x1x1x80xi32, #tpu.memory_space<hbm>>
      %dma_wait3A_118 = tpu.memref_squeeze %dma_wait3A_117 : memref<1x1x1x80xi32, #tpu.memory_space<hbm>> -> memref<80xi32, #tpu.memory_space<hbm>>
      tpu.wait_dma2 semaphore(%run_scoped3A_106 : memref<!tpu.dma_semaphore, #tpu.memory_space<semaphore_mem>>) src(%dma_wait3A_118 : memref<80xi32, #tpu.memory_space<hbm>>) dst(%arg14 : memref<80xi32, #tpu.memory_space<vmem>>)
      tpu.yield
    }) : () -> ()
    %run_scoped3A_7 = arith.constant 0 : i32
    %run_scoped3A_8 = arith.constant 2 : i32
    "tpu.region"() ({
      %run_scoped3A_106 = tpu.sem_alloc : memref<!tpu.dma_semaphore, #tpu.memory_space<semaphore_mem>>
      %dma_start3A_107 = arith.constant 0 : i32
      %dma_start3A_108 = tpu.memref_slice %arg3[%run_scoped3A_7, %add3A, %run_scoped3A_8, %dma_start3A_107] : memref<2x32x125x80xi32, #tpu.memory_space<hbm>> -> memref<1x1x1x80xi32, #tpu.memory_space<hbm>>
      %dma_start3A_109 = tpu.memref_squeeze %dma_start3A_108 : memref<1x1x1x80xi32, #tpu.memory_space<hbm>> -> memref<80xi32, #tpu.memory_space<hbm>>
      %dma_start3A_110 = arith.constant 0 : i32
      %dma_start3A_111 = tpu.memref_slice %arg3[%run_scoped3A_7, %add3A, %run_scoped3A_8, %dma_start3A_110] : memref<2x32x125x80xi32, #tpu.memory_space<hbm>> -> memref<1x1x1x80xi32, #tpu.memory_space<hbm>>
      %dma_start3A_112 = tpu.memref_squeeze %dma_start3A_111 : memref<1x1x1x80xi32, #tpu.memory_space<hbm>> -> memref<80xi32, #tpu.memory_space<hbm>>
      tpu.enqueue_dma source(%dma_start3A_112 : memref<80xi32, #tpu.memory_space<hbm>>) target(%arg15 : memref<80xi32, #tpu.memory_space<vmem>>) target_semaphore(%run_scoped3A_106 : memref<!tpu.dma_semaphore, #tpu.memory_space<semaphore_mem>>)
      %dma_wait3A_113 = arith.constant 0 : i32
      %dma_wait3A_114 = tpu.memref_slice %arg3[%run_scoped3A_7, %add3A, %run_scoped3A_8, %dma_wait3A_113] : memref<2x32x125x80xi32, #tpu.memory_space<hbm>> -> memref<1x1x1x80xi32, #tpu.memory_space<hbm>>
      %dma_wait3A_115 = tpu.memref_squeeze %dma_wait3A_114 : memref<1x1x1x80xi32, #tpu.memory_space<hbm>> -> memref<80xi32, #tpu.memory_space<hbm>>
      %dma_wait3A_116 = arith.constant 0 : i32
      %dma_wait3A_117 = tpu.memref_slice %arg3[%run_scoped3A_7, %add3A, %run_scoped3A_8, %dma_wait3A_116] : memref<2x32x125x80xi32, #tpu.memory_space<hbm>> -> memref<1x1x1x80xi32, #tpu.memory_space<hbm>>
      %dma_wait3A_118 = tpu.memref_squeeze %dma_wait3A_117 : memref<1x1x1x80xi32, #tpu.memory_space<hbm>> -> memref<80xi32, #tpu.memory_space<hbm>>
      tpu.wait_dma2 semaphore(%run_scoped3A_106 : memref<!tpu.dma_semaphore, #tpu.memory_space<semaphore_mem>>) src(%dma_wait3A_118 : memref<80xi32, #tpu.memory_space<hbm>>) dst(%arg15 : memref<80xi32, #tpu.memory_space<vmem>>)
      tpu.yield
    }) : () -> ()
    %dma_start3A = arith.constant 0 : i32
    %dma_start3A_9 = arith.constant 0 : i32
    %dma_start3A_10 = tpu.memref_slice %arg2[%dma_start3A, %dma_start3A_9] : memref<10000x128xf32, #tpu.memory_space<hbm>> -> memref<10000x128xf32, #tpu.memory_space<hbm>>
    tpu.enqueue_indirect_dma source(%dma_start3A_10 : memref<10000x128xf32, #tpu.memory_space<hbm>>) target(%arg16 : memref<80x128xf32, #tpu.memory_space<vmem>>) offsets(%arg13 : memref<80xi32, #tpu.memory_space<vmem>>) semaphore(%arg22 : memref<!tpu.dma_semaphore, #tpu.memory_space<semaphore_mem>>)
    %dma_start3A_11 = arith.constant 0 : i32
    %dma_start3A_12 = arith.constant 0 : i32
    %dma_start3A_13 = tpu.memref_slice %arg2[%dma_start3A_11, %dma_start3A_12] : memref<10000x128xf32, #tpu.memory_space<hbm>> -> memref<10000x128xf32, #tpu.memory_space<hbm>>
    tpu.enqueue_indirect_dma source(%dma_start3A_13 : memref<10000x128xf32, #tpu.memory_space<hbm>>) target(%arg17 : memref<80x128xf32, #tpu.memory_space<vmem>>) offsets(%arg14 : memref<80xi32, #tpu.memory_space<vmem>>) semaphore(%arg23 : memref<!tpu.dma_semaphore, #tpu.memory_space<semaphore_mem>>)
    %dma_start3A_14 = arith.constant 0 : i32
    %dma_start3A_15 = arith.constant 0 : i32
    %dma_start3A_16 = tpu.memref_slice %arg2[%dma_start3A_14, %dma_start3A_15] : memref<10000x128xf32, #tpu.memory_space<hbm>> -> memref<10000x128xf32, #tpu.memory_space<hbm>>
    tpu.enqueue_indirect_dma source(%dma_start3A_16 : memref<10000x128xf32, #tpu.memory_space<hbm>>) target(%arg18 : memref<80x128xf32, #tpu.memory_space<vmem>>) offsets(%arg15 : memref<80xi32, #tpu.memory_space<vmem>>) semaphore(%arg24 : memref<!tpu.dma_semaphore, #tpu.memory_space<semaphore_mem>>)
    %barrier3A = arith.constant 0 : index
    tpu.barrier barrier_id(%barrier3A)
    %dma_wait3A = arith.constant 0 : i32
    %dma_wait3A_17 = arith.constant 0 : i32
    %dma_wait3A_18 = tpu.memref_slice %arg2[%dma_wait3A, %dma_wait3A_17] : memref<10000x128xf32, #tpu.memory_space<hbm>> -> memref<10000x128xf32, #tpu.memory_space<hbm>>
    tpu.wait_indirect_dma semaphore(%arg22 : memref<!tpu.dma_semaphore, #tpu.memory_space<semaphore_mem>>) src(%dma_wait3A_18 : memref<10000x128xf32, #tpu.memory_space<hbm>>) dst(%arg16 : memref<80x128xf32, #tpu.memory_space<vmem>>)
    %dma_start3A_19 = arith.constant 0 : i32
    %dma_start3A_20 = arith.constant 0 : i32
    %dma_start3A_21 = tpu.memref_slice %arg11[%dma_start3A_19, %dma_start3A_20] : memref<125x80xi32, #tpu.memory_space<vmem>> -> memref<1x80xi32, #tpu.memory_space<vmem>>
    %dma_start3A_22 = tpu.memref_squeeze %dma_start3A_21 : memref<1x80xi32, #tpu.memory_space<vmem>> -> memref<80xi32, #tpu.memory_space<vmem>>
    %dma_start3A_23 = arith.constant 0 : i32
    %dma_start3A_24 = arith.constant 0 : i32
    %dma_start3A_25 = tpu.memref_slice %arg9[%dma_start3A_23, %dma_start3A_24] : memref<10112x128xf32, #tpu.memory_space<vmem_shared>> -> memref<10112x128xf32, #tpu.memory_space<vmem_shared>>
    tpu.enqueue_indirect_dma source(%arg16 : memref<80x128xf32, #tpu.memory_space<vmem>>) target(%dma_start3A_25 : memref<10112x128xf32, #tpu.memory_space<vmem_shared>>) offsets(%dma_start3A_22 : memref<80xi32, #tpu.memory_space<vmem>>) semaphore(%arg25 : memref<!tpu.dma_semaphore, #tpu.memory_space<semaphore_mem>>) {add = true}
    %dma_start3A_26 = arith.constant 0 : i32
    %dma_start3A_27 = arith.constant 0 : i32
    %dma_start3A_28 = tpu.memref_slice %arg11[%dma_start3A_26, %dma_start3A_27] : memref<125x80xi32, #tpu.memory_space<vmem>> -> memref<1x80xi32, #tpu.memory_space<vmem>>
    %dma_start3A_29 = tpu.memref_squeeze %dma_start3A_28 : memref<1x80xi32, #tpu.memory_space<vmem>> -> memref<80xi32, #tpu.memory_space<vmem>>
    %dma_start3A_30 = arith.constant 0 : i32
    %dma_start3A_31 = arith.constant 0 : i32
    %dma_start3A_32 = tpu.memref_slice %arg10[%dma_start3A_30, %dma_start3A_31] : memref<10112x8xf32, #tpu.memory_space<vmem_shared>> -> memref<10112x8xf32, #tpu.memory_space<vmem_shared>>
    tpu.enqueue_indirect_dma source(%arg12 : memref<80x8xf32, #tpu.memory_space<vmem>>) target(%dma_start3A_32 : memref<10112x8xf32, #tpu.memory_space<vmem_shared>>) offsets(%dma_start3A_29 : memref<80xi32, #tpu.memory_space<vmem>>) semaphore(%arg28 : memref<!tpu.dma_semaphore, #tpu.memory_space<semaphore_mem>>) {add = true}
    %dma_start3A_33 = arith.constant 0 : i32
    %dma_start3A_34 = arith.constant 3 : i32
    %dma_start3A_35 = arith.constant 0 : i32
    %dma_start3A_36 = tpu.memref_slice %arg3[%dma_start3A_33, %add3A, %dma_start3A_34, %dma_start3A_35] : memref<2x32x125x80xi32, #tpu.memory_space<hbm>> -> memref<1x1x1x80xi32, #tpu.memory_space<hbm>>
    %dma_start3A_37 = tpu.memref_squeeze %dma_start3A_36 : memref<1x1x1x80xi32, #tpu.memory_space<hbm>> -> memref<80xi32, #tpu.memory_space<hbm>>
    %dma_start3A_38 = arith.constant 0 : i32
    %dma_start3A_39 = tpu.memref_slice %arg3[%dma_start3A_33, %add3A, %dma_start3A_34, %dma_start3A_38] : memref<2x32x125x80xi32, #tpu.memory_space<hbm>> -> memref<1x1x1x80xi32, #tpu.memory_space<hbm>>
    %dma_start3A_40 = tpu.memref_squeeze %dma_start3A_39 : memref<1x1x1x80xi32, #tpu.memory_space<hbm>> -> memref<80xi32, #tpu.memory_space<hbm>>
    tpu.enqueue_dma source(%dma_start3A_40 : memref<80xi32, #tpu.memory_space<hbm>>) target(%arg13 : memref<80xi32, #tpu.memory_space<vmem>>) target_semaphore(%arg19 : memref<!tpu.dma_semaphore, #tpu.memory_space<semaphore_mem>>)
    %scan3A = arith.constant 0 : i32
    %scan3A_41 = arith.constant 0 : i32
    %scan3A_42 = arith.constant 41 : i32
    %scan3A_43 = arith.addi %scan3A_41, %scan3A_42 : i32
    %scan3A_44 = arith.constant 1 : i32
    scf.for %scan3A_106 = %scan3A_41 to %scan3A_43 step %scan3A_44  : i32 {
      %mul3A_107 = arith.constant 3 : i32
      %mul3A_108 = arith.muli %mul3A_107, %scan3A_106 : i32
      %add3A_109 = arith.constant 1 : i32
      %add3A_110 = arith.addi %mul3A_108, %add3A_109 : i32
      %dma_wait3A_111 = arith.constant 0 : i32
      %dma_wait3A_112 = arith.constant 0 : i32
      %dma_wait3A_113 = tpu.memref_slice %arg2[%dma_wait3A_111, %dma_wait3A_112] : memref<10000x128xf32, #tpu.memory_space<hbm>> -> memref<10000x128xf32, #tpu.memory_space<hbm>>
      tpu.wait_indirect_dma semaphore(%arg23 : memref<!tpu.dma_semaphore, #tpu.memory_space<semaphore_mem>>) src(%dma_wait3A_113 : memref<10000x128xf32, #tpu.memory_space<hbm>>) dst(%arg17 : memref<80x128xf32, #tpu.memory_space<vmem>>)
      %dma_start3A_114 = arith.constant 0 : i32
      %dma_start3A_115 = tpu.memref_slice %arg11[%add3A_110, %dma_start3A_114] : memref<125x80xi32, #tpu.memory_space<vmem>> -> memref<1x80xi32, #tpu.memory_space<vmem>>
      %dma_start3A_116 = tpu.memref_squeeze %dma_start3A_115 : memref<1x80xi32, #tpu.memory_space<vmem>> -> memref<80xi32, #tpu.memory_space<vmem>>
      %dma_start3A_117 = arith.constant 0 : i32
      %dma_start3A_118 = arith.constant 0 : i32
      %dma_start3A_119 = tpu.memref_slice %arg9[%dma_start3A_117, %dma_start3A_118] : memref<10112x128xf32, #tpu.memory_space<vmem_shared>> -> memref<10112x128xf32, #tpu.memory_space<vmem_shared>>
      tpu.enqueue_indirect_dma source(%arg17 : memref<80x128xf32, #tpu.memory_space<vmem>>) target(%dma_start3A_119 : memref<10112x128xf32, #tpu.memory_space<vmem_shared>>) offsets(%dma_start3A_116 : memref<80xi32, #tpu.memory_space<vmem>>) semaphore(%arg26 : memref<!tpu.dma_semaphore, #tpu.memory_space<semaphore_mem>>) {add = true}
      %dma_start3A_120 = arith.constant 0 : i32
      %dma_start3A_121 = tpu.memref_slice %arg11[%add3A_110, %dma_start3A_120] : memref<125x80xi32, #tpu.memory_space<vmem>> -> memref<1x80xi32, #tpu.memory_space<vmem>>
      %dma_start3A_122 = tpu.memref_squeeze %dma_start3A_121 : memref<1x80xi32, #tpu.memory_space<vmem>> -> memref<80xi32, #tpu.memory_space<vmem>>
      %dma_start3A_123 = arith.constant 0 : i32
      %dma_start3A_124 = arith.constant 0 : i32
      %dma_start3A_125 = tpu.memref_slice %arg10[%dma_start3A_123, %dma_start3A_124] : memref<10112x8xf32, #tpu.memory_space<vmem_shared>> -> memref<10112x8xf32, #tpu.memory_space<vmem_shared>>
      tpu.enqueue_indirect_dma source(%arg12 : memref<80x8xf32, #tpu.memory_space<vmem>>) target(%dma_start3A_125 : memref<10112x8xf32, #tpu.memory_space<vmem_shared>>) offsets(%dma_start3A_122 : memref<80xi32, #tpu.memory_space<vmem>>) semaphore(%arg29 : memref<!tpu.dma_semaphore, #tpu.memory_space<semaphore_mem>>) {add = true}
      %add3A_126 = arith.constant 3 : i32
      %add3A_127 = arith.addi %add3A_110, %add3A_126 : i32
      %lt3A = arith.constant 125 : i32
      %lt3A_128 = arith.cmpi slt, %add3A_127, %lt3A : i32
      %convert_element_type3A = arith.extui %lt3A_128 : i1 to i32
      %cond3A = arith.constant 0 : i32
      %cond3A_129 = arith.cmpi ne, %convert_element_type3A, %cond3A : i32
      scf.if %cond3A_129 {
        %add3A_199 = arith.constant 3 : i32
        %add3A_200 = arith.addi %add3A_110, %add3A_199 : i32
        %dma_start3A_201 = arith.constant 0 : i32
        %dma_start3A_202 = arith.constant 0 : i32
        %dma_start3A_203 = tpu.memref_slice %arg3[%dma_start3A_201, %add3A, %add3A_200, %dma_start3A_202] : memref<2x32x125x80xi32, #tpu.memory_space<hbm>> -> memref<1x1x1x80xi32, #tpu.memory_space<hbm>>
        %dma_start3A_204 = tpu.memref_squeeze %dma_start3A_203 : memref<1x1x1x80xi32, #tpu.memory_space<hbm>> -> memref<80xi32, #tpu.memory_space<hbm>>
        %dma_start3A_205 = arith.constant 0 : i32
        %dma_start3A_206 = tpu.memref_slice %arg3[%dma_start3A_201, %add3A, %add3A_200, %dma_start3A_205] : memref<2x32x125x80xi32, #tpu.memory_space<hbm>> -> memref<1x1x1x80xi32, #tpu.memory_space<hbm>>
        %dma_start3A_207 = tpu.memref_squeeze %dma_start3A_206 : memref<1x1x1x80xi32, #tpu.memory_space<hbm>> -> memref<80xi32, #tpu.memory_space<hbm>>
        tpu.enqueue_dma source(%dma_start3A_207 : memref<80xi32, #tpu.memory_space<hbm>>) target(%arg14 : memref<80xi32, #tpu.memory_space<vmem>>) target_semaphore(%arg20 : memref<!tpu.dma_semaphore, #tpu.memory_space<semaphore_mem>>)
      } else {
      }
      %add3A_130 = arith.constant 2 : i32
      %add3A_131 = arith.addi %add3A_110, %add3A_130 : i32
      %lt3A_132 = arith.constant 125 : i32
      %lt3A_133 = arith.cmpi slt, %add3A_131, %lt3A_132 : i32
      %convert_element_type3A_134 = arith.extui %lt3A_133 : i1 to i32
      %cond3A_135 = arith.constant 0 : i32
      %cond3A_136 = arith.cmpi ne, %convert_element_type3A_134, %cond3A_135 : i32
      scf.if %cond3A_136 {
        %add3A_199 = arith.constant 2 : i32
        %add3A_200 = arith.addi %add3A_110, %add3A_199 : i32
        %dma_wait3A_201 = arith.constant 0 : i32
        %dma_wait3A_202 = arith.constant 0 : i32
        %dma_wait3A_203 = tpu.memref_slice %arg3[%dma_wait3A_201, %add3A, %add3A_200, %dma_wait3A_202] : memref<2x32x125x80xi32, #tpu.memory_space<hbm>> -> memref<1x1x1x80xi32, #tpu.memory_space<hbm>>
        %dma_wait3A_204 = tpu.memref_squeeze %dma_wait3A_203 : memref<1x1x1x80xi32, #tpu.memory_space<hbm>> -> memref<80xi32, #tpu.memory_space<hbm>>
        %dma_wait3A_205 = arith.constant 0 : i32
        %dma_wait3A_206 = tpu.memref_slice %arg3[%dma_wait3A_201, %add3A, %add3A_200, %dma_wait3A_205] : memref<2x32x125x80xi32, #tpu.memory_space<hbm>> -> memref<1x1x1x80xi32, #tpu.memory_space<hbm>>
        %dma_wait3A_207 = tpu.memref_squeeze %dma_wait3A_206 : memref<1x1x1x80xi32, #tpu.memory_space<hbm>> -> memref<80xi32, #tpu.memory_space<hbm>>
        tpu.wait_dma2 semaphore(%arg19 : memref<!tpu.dma_semaphore, #tpu.memory_space<semaphore_mem>>) src(%dma_wait3A_207 : memref<80xi32, #tpu.memory_space<hbm>>) dst(%arg13 : memref<80xi32, #tpu.memory_space<vmem>>)
        %sub3A = arith.constant 1 : i32
        %sub3A_208 = arith.subi %add3A_110, %sub3A : i32
        %dma_wait3A_209 = arith.constant 0 : i32
        %dma_wait3A_210 = tpu.memref_slice %arg11[%sub3A_208, %dma_wait3A_209] : memref<125x80xi32, #tpu.memory_space<vmem>> -> memref<1x80xi32, #tpu.memory_space<vmem>>
        %dma_wait3A_211 = tpu.memref_squeeze %dma_wait3A_210 : memref<1x80xi32, #tpu.memory_space<vmem>> -> memref<80xi32, #tpu.memory_space<vmem>>
        %dma_wait3A_212 = arith.constant 0 : i32
        %dma_wait3A_213 = arith.constant 0 : i32
        %dma_wait3A_214 = tpu.memref_slice %arg9[%dma_wait3A_212, %dma_wait3A_213] : memref<10112x128xf32, #tpu.memory_space<vmem_shared>> -> memref<10112x128xf32, #tpu.memory_space<vmem_shared>>
        tpu.wait_indirect_dma semaphore(%arg25 : memref<!tpu.dma_semaphore, #tpu.memory_space<semaphore_mem>>) src(%arg16 : memref<80x128xf32, #tpu.memory_space<vmem>>) dst(%dma_wait3A_214 : memref<10112x128xf32, #tpu.memory_space<vmem_shared>>)
        %dma_wait3A_215 = arith.constant 0 : i32
        %dma_wait3A_216 = tpu.memref_slice %arg11[%sub3A_208, %dma_wait3A_215] : memref<125x80xi32, #tpu.memory_space<vmem>> -> memref<1x80xi32, #tpu.memory_space<vmem>>
        %dma_wait3A_217 = tpu.memref_squeeze %dma_wait3A_216 : memref<1x80xi32, #tpu.memory_space<vmem>> -> memref<80xi32, #tpu.memory_space<vmem>>
        %dma_wait3A_218 = arith.constant 0 : i32
        %dma_wait3A_219 = arith.constant 0 : i32
        %dma_wait3A_220 = tpu.memref_slice %arg10[%dma_wait3A_218, %dma_wait3A_219] : memref<10112x8xf32, #tpu.memory_space<vmem_shared>> -> memref<10112x8xf32, #tpu.memory_space<vmem_shared>>
        tpu.wait_indirect_dma semaphore(%arg28 : memref<!tpu.dma_semaphore, #tpu.memory_space<semaphore_mem>>) src(%arg12 : memref<80x8xf32, #tpu.memory_space<vmem>>) dst(%dma_wait3A_220 : memref<10112x8xf32, #tpu.memory_space<vmem_shared>>)
        %dma_start3A_221 = arith.constant 0 : i32
        %dma_start3A_222 = arith.constant 0 : i32
        %dma_start3A_223 = tpu.memref_slice %arg2[%dma_start3A_221, %dma_start3A_222] : memref<10000x128xf32, #tpu.memory_space<hbm>> -> memref<10000x128xf32, #tpu.memory_space<hbm>>
        tpu.enqueue_indirect_dma source(%dma_start3A_223 : memref<10000x128xf32, #tpu.memory_space<hbm>>) target(%arg16 : memref<80x128xf32, #tpu.memory_space<vmem>>) offsets(%arg13 : memref<80xi32, #tpu.memory_space<vmem>>) semaphore(%arg22 : memref<!tpu.dma_semaphore, #tpu.memory_space<semaphore_mem>>)
      } else {
      }
      %add3A_137 = arith.constant 1 : i32
      %add3A_138 = arith.addi %add3A_110, %add3A_137 : i32
      %dma_wait3A_139 = arith.constant 0 : i32
      %dma_wait3A_140 = arith.constant 0 : i32
      %dma_wait3A_141 = tpu.memref_slice %arg2[%dma_wait3A_139, %dma_wait3A_140] : memref<10000x128xf32, #tpu.memory_space<hbm>> -> memref<10000x128xf32, #tpu.memory_space<hbm>>
      tpu.wait_indirect_dma semaphore(%arg24 : memref<!tpu.dma_semaphore, #tpu.memory_space<semaphore_mem>>) src(%dma_wait3A_141 : memref<10000x128xf32, #tpu.memory_space<hbm>>) dst(%arg18 : memref<80x128xf32, #tpu.memory_space<vmem>>)
      %dma_start3A_142 = arith.constant 0 : i32
      %dma_start3A_143 = tpu.memref_slice %arg11[%add3A_138, %dma_start3A_142] : memref<125x80xi32, #tpu.memory_space<vmem>> -> memref<1x80xi32, #tpu.memory_space<vmem>>
      %dma_start3A_144 = tpu.memref_squeeze %dma_start3A_143 : memref<1x80xi32, #tpu.memory_space<vmem>> -> memref<80xi32, #tpu.memory_space<vmem>>
      %dma_start3A_145 = arith.constant 0 : i32
      %dma_start3A_146 = arith.constant 0 : i32
      %dma_start3A_147 = tpu.memref_slice %arg9[%dma_start3A_145, %dma_start3A_146] : memref<10112x128xf32, #tpu.memory_space<vmem_shared>> -> memref<10112x128xf32, #tpu.memory_space<vmem_shared>>
      tpu.enqueue_indirect_dma source(%arg18 : memref<80x128xf32, #tpu.memory_space<vmem>>) target(%dma_start3A_147 : memref<10112x128xf32, #tpu.memory_space<vmem_shared>>) offsets(%dma_start3A_144 : memref<80xi32, #tpu.memory_space<vmem>>) semaphore(%arg27 : memref<!tpu.dma_semaphore, #tpu.memory_space<semaphore_mem>>) {add = true}
      %dma_start3A_148 = arith.constant 0 : i32
      %dma_start3A_149 = tpu.memref_slice %arg11[%add3A_138, %dma_start3A_148] : memref<125x80xi32, #tpu.memory_space<vmem>> -> memref<1x80xi32, #tpu.memory_space<vmem>>
      %dma_start3A_150 = tpu.memref_squeeze %dma_start3A_149 : memref<1x80xi32, #tpu.memory_space<vmem>> -> memref<80xi32, #tpu.memory_space<vmem>>
      %dma_start3A_151 = arith.constant 0 : i32
      %dma_start3A_152 = arith.constant 0 : i32
      %dma_start3A_153 = tpu.memref_slice %arg10[%dma_start3A_151, %dma_start3A_152] : memref<10112x8xf32, #tpu.memory_space<vmem_shared>> -> memref<10112x8xf32, #tpu.memory_space<vmem_shared>>
      tpu.enqueue_indirect_dma source(%arg12 : memref<80x8xf32, #tpu.memory_space<vmem>>) target(%dma_start3A_153 : memref<10112x8xf32, #tpu.memory_space<vmem_shared>>) offsets(%dma_start3A_150 : memref<80xi32, #tpu.memory_space<vmem>>) semaphore(%arg30 : memref<!tpu.dma_semaphore, #tpu.memory_space<semaphore_mem>>) {add = true}
      %add3A_154 = arith.constant 3 : i32
      %add3A_155 = arith.addi %add3A_138, %add3A_154 : i32
      %lt3A_156 = arith.constant 125 : i32
      %lt3A_157 = arith.cmpi slt, %add3A_155, %lt3A_156 : i32
      %convert_element_type3A_158 = arith.extui %lt3A_157 : i1 to i32
      %cond3A_159 = arith.constant 0 : i32
      %cond3A_160 = arith.cmpi ne, %convert_element_type3A_158, %cond3A_159 : i32
      scf.if %cond3A_160 {
        %add3A_199 = arith.constant 3 : i32
        %add3A_200 = arith.addi %add3A_138, %add3A_199 : i32
        %dma_start3A_201 = arith.constant 0 : i32
        %dma_start3A_202 = arith.constant 0 : i32
        %dma_start3A_203 = tpu.memref_slice %arg3[%dma_start3A_201, %add3A, %add3A_200, %dma_start3A_202] : memref<2x32x125x80xi32, #tpu.memory_space<hbm>> -> memref<1x1x1x80xi32, #tpu.memory_space<hbm>>
        %dma_start3A_204 = tpu.memref_squeeze %dma_start3A_203 : memref<1x1x1x80xi32, #tpu.memory_space<hbm>> -> memref<80xi32, #tpu.memory_space<hbm>>
        %dma_start3A_205 = arith.constant 0 : i32
        %dma_start3A_206 = tpu.memref_slice %arg3[%dma_start3A_201, %add3A, %add3A_200, %dma_start3A_205] : memref<2x32x125x80xi32, #tpu.memory_space<hbm>> -> memref<1x1x1x80xi32, #tpu.memory_space<hbm>>
        %dma_start3A_207 = tpu.memref_squeeze %dma_start3A_206 : memref<1x1x1x80xi32, #tpu.memory_space<hbm>> -> memref<80xi32, #tpu.memory_space<hbm>>
        tpu.enqueue_dma source(%dma_start3A_207 : memref<80xi32, #tpu.memory_space<hbm>>) target(%arg15 : memref<80xi32, #tpu.memory_space<vmem>>) target_semaphore(%arg21 : memref<!tpu.dma_semaphore, #tpu.memory_space<semaphore_mem>>)
      } else {
      }
      %add3A_161 = arith.constant 2 : i32
      %add3A_162 = arith.addi %add3A_138, %add3A_161 : i32
      %lt3A_163 = arith.constant 125 : i32
      %lt3A_164 = arith.cmpi slt, %add3A_162, %lt3A_163 : i32
      %convert_element_type3A_165 = arith.extui %lt3A_164 : i1 to i32
      %cond3A_166 = arith.constant 0 : i32
      %cond3A_167 = arith.cmpi ne, %convert_element_type3A_165, %cond3A_166 : i32
      scf.if %cond3A_167 {
        %add3A_199 = arith.constant 2 : i32
        %add3A_200 = arith.addi %add3A_138, %add3A_199 : i32
        %dma_wait3A_201 = arith.constant 0 : i32
        %dma_wait3A_202 = arith.constant 0 : i32
        %dma_wait3A_203 = tpu.memref_slice %arg3[%dma_wait3A_201, %add3A, %add3A_200, %dma_wait3A_202] : memref<2x32x125x80xi32, #tpu.memory_space<hbm>> -> memref<1x1x1x80xi32, #tpu.memory_space<hbm>>
        %dma_wait3A_204 = tpu.memref_squeeze %dma_wait3A_203 : memref<1x1x1x80xi32, #tpu.memory_space<hbm>> -> memref<80xi32, #tpu.memory_space<hbm>>
        %dma_wait3A_205 = arith.constant 0 : i32
        %dma_wait3A_206 = tpu.memref_slice %arg3[%dma_wait3A_201, %add3A, %add3A_200, %dma_wait3A_205] : memref<2x32x125x80xi32, #tpu.memory_space<hbm>> -> memref<1x1x1x80xi32, #tpu.memory_space<hbm>>
        %dma_wait3A_207 = tpu.memref_squeeze %dma_wait3A_206 : memref<1x1x1x80xi32, #tpu.memory_space<hbm>> -> memref<80xi32, #tpu.memory_space<hbm>>
        tpu.wait_dma2 semaphore(%arg20 : memref<!tpu.dma_semaphore, #tpu.memory_space<semaphore_mem>>) src(%dma_wait3A_207 : memref<80xi32, #tpu.memory_space<hbm>>) dst(%arg14 : memref<80xi32, #tpu.memory_space<vmem>>)
        %sub3A = arith.constant 1 : i32
        %sub3A_208 = arith.subi %add3A_138, %sub3A : i32
        %dma_wait3A_209 = arith.constant 0 : i32
        %dma_wait3A_210 = tpu.memref_slice %arg11[%sub3A_208, %dma_wait3A_209] : memref<125x80xi32, #tpu.memory_space<vmem>> -> memref<1x80xi32, #tpu.memory_space<vmem>>
        %dma_wait3A_211 = tpu.memref_squeeze %dma_wait3A_210 : memref<1x80xi32, #tpu.memory_space<vmem>> -> memref<80xi32, #tpu.memory_space<vmem>>
        %dma_wait3A_212 = arith.constant 0 : i32
        %dma_wait3A_213 = arith.constant 0 : i32
        %dma_wait3A_214 = tpu.memref_slice %arg9[%dma_wait3A_212, %dma_wait3A_213] : memref<10112x128xf32, #tpu.memory_space<vmem_shared>> -> memref<10112x128xf32, #tpu.memory_space<vmem_shared>>
        tpu.wait_indirect_dma semaphore(%arg26 : memref<!tpu.dma_semaphore, #tpu.memory_space<semaphore_mem>>) src(%arg17 : memref<80x128xf32, #tpu.memory_space<vmem>>) dst(%dma_wait3A_214 : memref<10112x128xf32, #tpu.memory_space<vmem_shared>>)
        %dma_wait3A_215 = arith.constant 0 : i32
        %dma_wait3A_216 = tpu.memref_slice %arg11[%sub3A_208, %dma_wait3A_215] : memref<125x80xi32, #tpu.memory_space<vmem>> -> memref<1x80xi32, #tpu.memory_space<vmem>>
        %dma_wait3A_217 = tpu.memref_squeeze %dma_wait3A_216 : memref<1x80xi32, #tpu.memory_space<vmem>> -> memref<80xi32, #tpu.memory_space<vmem>>
        %dma_wait3A_218 = arith.constant 0 : i32
        %dma_wait3A_219 = arith.constant 0 : i32
        %dma_wait3A_220 = tpu.memref_slice %arg10[%dma_wait3A_218, %dma_wait3A_219] : memref<10112x8xf32, #tpu.memory_space<vmem_shared>> -> memref<10112x8xf32, #tpu.memory_space<vmem_shared>>
        tpu.wait_indirect_dma semaphore(%arg29 : memref<!tpu.dma_semaphore, #tpu.memory_space<semaphore_mem>>) src(%arg12 : memref<80x8xf32, #tpu.memory_space<vmem>>) dst(%dma_wait3A_220 : memref<10112x8xf32, #tpu.memory_space<vmem_shared>>)
        %dma_start3A_221 = arith.constant 0 : i32
        %dma_start3A_222 = arith.constant 0 : i32
        %dma_start3A_223 = tpu.memref_slice %arg2[%dma_start3A_221, %dma_start3A_222] : memref<10000x128xf32, #tpu.memory_space<hbm>> -> memref<10000x128xf32, #tpu.memory_space<hbm>>
        tpu.enqueue_indirect_dma source(%dma_start3A_223 : memref<10000x128xf32, #tpu.memory_space<hbm>>) target(%arg17 : memref<80x128xf32, #tpu.memory_space<vmem>>) offsets(%arg14 : memref<80xi32, #tpu.memory_space<vmem>>) semaphore(%arg23 : memref<!tpu.dma_semaphore, #tpu.memory_space<semaphore_mem>>)
      } else {
      }
      %add3A_168 = arith.constant 2 : i32
      %add3A_169 = arith.addi %add3A_110, %add3A_168 : i32
      %dma_wait3A_170 = arith.constant 0 : i32
      %dma_wait3A_171 = arith.constant 0 : i32
      %dma_wait3A_172 = tpu.memref_slice %arg2[%dma_wait3A_170, %dma_wait3A_171] : memref<10000x128xf32, #tpu.memory_space<hbm>> -> memref<10000x128xf32, #tpu.memory_space<hbm>>
      tpu.wait_indirect_dma semaphore(%arg22 : memref<!tpu.dma_semaphore, #tpu.memory_space<semaphore_mem>>) src(%dma_wait3A_172 : memref<10000x128xf32, #tpu.memory_space<hbm>>) dst(%arg16 : memref<80x128xf32, #tpu.memory_space<vmem>>)
      %dma_start3A_173 = arith.constant 0 : i32
      %dma_start3A_174 = tpu.memref_slice %arg11[%add3A_169, %dma_start3A_173] : memref<125x80xi32, #tpu.memory_space<vmem>> -> memref<1x80xi32, #tpu.memory_space<vmem>>
      %dma_start3A_175 = tpu.memref_squeeze %dma_start3A_174 : memref<1x80xi32, #tpu.memory_space<vmem>> -> memref<80xi32, #tpu.memory_space<vmem>>
      %dma_start3A_176 = arith.constant 0 : i32
      %dma_start3A_177 = arith.constant 0 : i32
      %dma_start3A_178 = tpu.memref_slice %arg9[%dma_start3A_176, %dma_start3A_177] : memref<10112x128xf32, #tpu.memory_space<vmem_shared>> -> memref<10112x128xf32, #tpu.memory_space<vmem_shared>>
      tpu.enqueue_indirect_dma source(%arg16 : memref<80x128xf32, #tpu.memory_space<vmem>>) target(%dma_start3A_178 : memref<10112x128xf32, #tpu.memory_space<vmem_shared>>) offsets(%dma_start3A_175 : memref<80xi32, #tpu.memory_space<vmem>>) semaphore(%arg25 : memref<!tpu.dma_semaphore, #tpu.memory_space<semaphore_mem>>) {add = true}
      %dma_start3A_179 = arith.constant 0 : i32
      %dma_start3A_180 = tpu.memref_slice %arg11[%add3A_169, %dma_start3A_179] : memref<125x80xi32, #tpu.memory_space<vmem>> -> memref<1x80xi32, #tpu.memory_space<vmem>>
      %dma_start3A_181 = tpu.memref_squeeze %dma_start3A_180 : memref<1x80xi32, #tpu.memory_space<vmem>> -> memref<80xi32, #tpu.memory_space<vmem>>
      %dma_start3A_182 = arith.constant 0 : i32
      %dma_start3A_183 = arith.constant 0 : i32
      %dma_start3A_184 = tpu.memref_slice %arg10[%dma_start3A_182, %dma_start3A_183] : memref<10112x8xf32, #tpu.memory_space<vmem_shared>> -> memref<10112x8xf32, #tpu.memory_space<vmem_shared>>
      tpu.enqueue_indirect_dma source(%arg12 : memref<80x8xf32, #tpu.memory_space<vmem>>) target(%dma_start3A_184 : memref<10112x8xf32, #tpu.memory_space<vmem_shared>>) offsets(%dma_start3A_181 : memref<80xi32, #tpu.memory_space<vmem>>) semaphore(%arg28 : memref<!tpu.dma_semaphore, #tpu.memory_space<semaphore_mem>>) {add = true}
      %add3A_185 = arith.constant 3 : i32
      %add3A_186 = arith.addi %add3A_169, %add3A_185 : i32
      %lt3A_187 = arith.constant 125 : i32
      %lt3A_188 = arith.cmpi slt, %add3A_186, %lt3A_187 : i32
      %convert_element_type3A_189 = arith.extui %lt3A_188 : i1 to i32
      %cond3A_190 = arith.constant 0 : i32
      %cond3A_191 = arith.cmpi ne, %convert_element_type3A_189, %cond3A_190 : i32
      scf.if %cond3A_191 {
        %add3A_199 = arith.constant 3 : i32
        %add3A_200 = arith.addi %add3A_169, %add3A_199 : i32
        %dma_start3A_201 = arith.constant 0 : i32
        %dma_start3A_202 = arith.constant 0 : i32
        %dma_start3A_203 = tpu.memref_slice %arg3[%dma_start3A_201, %add3A, %add3A_200, %dma_start3A_202] : memref<2x32x125x80xi32, #tpu.memory_space<hbm>> -> memref<1x1x1x80xi32, #tpu.memory_space<hbm>>
        %dma_start3A_204 = tpu.memref_squeeze %dma_start3A_203 : memref<1x1x1x80xi32, #tpu.memory_space<hbm>> -> memref<80xi32, #tpu.memory_space<hbm>>
        %dma_start3A_205 = arith.constant 0 : i32
        %dma_start3A_206 = tpu.memref_slice %arg3[%dma_start3A_201, %add3A, %add3A_200, %dma_start3A_205] : memref<2x32x125x80xi32, #tpu.memory_space<hbm>> -> memref<1x1x1x80xi32, #tpu.memory_space<hbm>>
        %dma_start3A_207 = tpu.memref_squeeze %dma_start3A_206 : memref<1x1x1x80xi32, #tpu.memory_space<hbm>> -> memref<80xi32, #tpu.memory_space<hbm>>
        tpu.enqueue_dma source(%dma_start3A_207 : memref<80xi32, #tpu.memory_space<hbm>>) target(%arg13 : memref<80xi32, #tpu.memory_space<vmem>>) target_semaphore(%arg19 : memref<!tpu.dma_semaphore, #tpu.memory_space<semaphore_mem>>)
      } else {
      }
      %add3A_192 = arith.constant 2 : i32
      %add3A_193 = arith.addi %add3A_169, %add3A_192 : i32
      %lt3A_194 = arith.constant 125 : i32
      %lt3A_195 = arith.cmpi slt, %add3A_193, %lt3A_194 : i32
      %convert_element_type3A_196 = arith.extui %lt3A_195 : i1 to i32
      %cond3A_197 = arith.constant 0 : i32
      %cond3A_198 = arith.cmpi ne, %convert_element_type3A_196, %cond3A_197 : i32
      scf.if %cond3A_198 {
        %add3A_199 = arith.constant 2 : i32
        %add3A_200 = arith.addi %add3A_169, %add3A_199 : i32
        %dma_wait3A_201 = arith.constant 0 : i32
        %dma_wait3A_202 = arith.constant 0 : i32
        %dma_wait3A_203 = tpu.memref_slice %arg3[%dma_wait3A_201, %add3A, %add3A_200, %dma_wait3A_202] : memref<2x32x125x80xi32, #tpu.memory_space<hbm>> -> memref<1x1x1x80xi32, #tpu.memory_space<hbm>>
        %dma_wait3A_204 = tpu.memref_squeeze %dma_wait3A_203 : memref<1x1x1x80xi32, #tpu.memory_space<hbm>> -> memref<80xi32, #tpu.memory_space<hbm>>
        %dma_wait3A_205 = arith.constant 0 : i32
        %dma_wait3A_206 = tpu.memref_slice %arg3[%dma_wait3A_201, %add3A, %add3A_200, %dma_wait3A_205] : memref<2x32x125x80xi32, #tpu.memory_space<hbm>> -> memref<1x1x1x80xi32, #tpu.memory_space<hbm>>
        %dma_wait3A_207 = tpu.memref_squeeze %dma_wait3A_206 : memref<1x1x1x80xi32, #tpu.memory_space<hbm>> -> memref<80xi32, #tpu.memory_space<hbm>>
        tpu.wait_dma2 semaphore(%arg21 : memref<!tpu.dma_semaphore, #tpu.memory_space<semaphore_mem>>) src(%dma_wait3A_207 : memref<80xi32, #tpu.memory_space<hbm>>) dst(%arg15 : memref<80xi32, #tpu.memory_space<vmem>>)
        %sub3A = arith.constant 1 : i32
        %sub3A_208 = arith.subi %add3A_169, %sub3A : i32
        %dma_wait3A_209 = arith.constant 0 : i32
        %dma_wait3A_210 = tpu.memref_slice %arg11[%sub3A_208, %dma_wait3A_209] : memref<125x80xi32, #tpu.memory_space<vmem>> -> memref<1x80xi32, #tpu.memory_space<vmem>>
        %dma_wait3A_211 = tpu.memref_squeeze %dma_wait3A_210 : memref<1x80xi32, #tpu.memory_space<vmem>> -> memref<80xi32, #tpu.memory_space<vmem>>
        %dma_wait3A_212 = arith.constant 0 : i32
        %dma_wait3A_213 = arith.constant 0 : i32
        %dma_wait3A_214 = tpu.memref_slice %arg9[%dma_wait3A_212, %dma_wait3A_213] : memref<10112x128xf32, #tpu.memory_space<vmem_shared>> -> memref<10112x128xf32, #tpu.memory_space<vmem_shared>>
        tpu.wait_indirect_dma semaphore(%arg27 : memref<!tpu.dma_semaphore, #tpu.memory_space<semaphore_mem>>) src(%arg18 : memref<80x128xf32, #tpu.memory_space<vmem>>) dst(%dma_wait3A_214 : memref<10112x128xf32, #tpu.memory_space<vmem_shared>>)
        %dma_wait3A_215 = arith.constant 0 : i32
        %dma_wait3A_216 = tpu.memref_slice %arg11[%sub3A_208, %dma_wait3A_215] : memref<125x80xi32, #tpu.memory_space<vmem>> -> memref<1x80xi32, #tpu.memory_space<vmem>>
        %dma_wait3A_217 = tpu.memref_squeeze %dma_wait3A_216 : memref<1x80xi32, #tpu.memory_space<vmem>> -> memref<80xi32, #tpu.memory_space<vmem>>
        %dma_wait3A_218 = arith.constant 0 : i32
        %dma_wait3A_219 = arith.constant 0 : i32
        %dma_wait3A_220 = tpu.memref_slice %arg10[%dma_wait3A_218, %dma_wait3A_219] : memref<10112x8xf32, #tpu.memory_space<vmem_shared>> -> memref<10112x8xf32, #tpu.memory_space<vmem_shared>>
        tpu.wait_indirect_dma semaphore(%arg30 : memref<!tpu.dma_semaphore, #tpu.memory_space<semaphore_mem>>) src(%arg12 : memref<80x8xf32, #tpu.memory_space<vmem>>) dst(%dma_wait3A_220 : memref<10112x8xf32, #tpu.memory_space<vmem_shared>>)
        %dma_start3A_221 = arith.constant 0 : i32
        %dma_start3A_222 = arith.constant 0 : i32
        %dma_start3A_223 = tpu.memref_slice %arg2[%dma_start3A_221, %dma_start3A_222] : memref<10000x128xf32, #tpu.memory_space<hbm>> -> memref<10000x128xf32, #tpu.memory_space<hbm>>
        tpu.enqueue_indirect_dma source(%dma_start3A_223 : memref<10000x128xf32, #tpu.memory_space<hbm>>) target(%arg18 : memref<80x128xf32, #tpu.memory_space<vmem>>) offsets(%arg15 : memref<80xi32, #tpu.memory_space<vmem>>) semaphore(%arg24 : memref<!tpu.dma_semaphore, #tpu.memory_space<semaphore_mem>>)
      } else {
      }
    }
    %scan3A_45 = arith.constant 41 : i32
    %dma_wait3A_46 = arith.constant 0 : i32
    %dma_wait3A_47 = arith.constant 0 : i32
    %dma_wait3A_48 = tpu.memref_slice %arg2[%dma_wait3A_46, %dma_wait3A_47] : memref<10000x128xf32, #tpu.memory_space<hbm>> -> memref<10000x128xf32, #tpu.memory_space<hbm>>
    tpu.wait_indirect_dma semaphore(%arg23 : memref<!tpu.dma_semaphore, #tpu.memory_space<semaphore_mem>>) src(%dma_wait3A_48 : memref<10000x128xf32, #tpu.memory_space<hbm>>) dst(%arg17 : memref<80x128xf32, #tpu.memory_space<vmem>>)
    %dma_start3A_49 = arith.constant 124 : i32
    %dma_start3A_50 = arith.constant 0 : i32
    %dma_start3A_51 = tpu.memref_slice %arg11[%dma_start3A_49, %dma_start3A_50] : memref<125x80xi32, #tpu.memory_space<vmem>> -> memref<1x80xi32, #tpu.memory_space<vmem>>
    %dma_start3A_52 = tpu.memref_squeeze %dma_start3A_51 : memref<1x80xi32, #tpu.memory_space<vmem>> -> memref<80xi32, #tpu.memory_space<vmem>>
    %dma_start3A_53 = arith.constant 0 : i32
    %dma_start3A_54 = arith.constant 0 : i32
    %dma_start3A_55 = tpu.memref_slice %arg9[%dma_start3A_53, %dma_start3A_54] : memref<10112x128xf32, #tpu.memory_space<vmem_shared>> -> memref<10112x128xf32, #tpu.memory_space<vmem_shared>>
    tpu.enqueue_indirect_dma source(%arg17 : memref<80x128xf32, #tpu.memory_space<vmem>>) target(%dma_start3A_55 : memref<10112x128xf32, #tpu.memory_space<vmem_shared>>) offsets(%dma_start3A_52 : memref<80xi32, #tpu.memory_space<vmem>>) semaphore(%arg26 : memref<!tpu.dma_semaphore, #tpu.memory_space<semaphore_mem>>) {add = true}
    %dma_start3A_56 = arith.constant 124 : i32
    %dma_start3A_57 = arith.constant 0 : i32
    %dma_start3A_58 = tpu.memref_slice %arg11[%dma_start3A_56, %dma_start3A_57] : memref<125x80xi32, #tpu.memory_space<vmem>> -> memref<1x80xi32, #tpu.memory_space<vmem>>
    %dma_start3A_59 = tpu.memref_squeeze %dma_start3A_58 : memref<1x80xi32, #tpu.memory_space<vmem>> -> memref<80xi32, #tpu.memory_space<vmem>>
    %dma_start3A_60 = arith.constant 0 : i32
    %dma_start3A_61 = arith.constant 0 : i32
    %dma_start3A_62 = tpu.memref_slice %arg10[%dma_start3A_60, %dma_start3A_61] : memref<10112x8xf32, #tpu.memory_space<vmem_shared>> -> memref<10112x8xf32, #tpu.memory_space<vmem_shared>>
    tpu.enqueue_indirect_dma source(%arg12 : memref<80x8xf32, #tpu.memory_space<vmem>>) target(%dma_start3A_62 : memref<10112x8xf32, #tpu.memory_space<vmem_shared>>) offsets(%dma_start3A_59 : memref<80xi32, #tpu.memory_space<vmem>>) semaphore(%arg29 : memref<!tpu.dma_semaphore, #tpu.memory_space<semaphore_mem>>) {add = true}
    %dma_wait3A_63 = arith.constant 122 : i32
    %dma_wait3A_64 = arith.constant 0 : i32
    %dma_wait3A_65 = tpu.memref_slice %arg11[%dma_wait3A_63, %dma_wait3A_64] : memref<125x80xi32, #tpu.memory_space<vmem>> -> memref<1x80xi32, #tpu.memory_space<vmem>>
    %dma_wait3A_66 = tpu.memref_squeeze %dma_wait3A_65 : memref<1x80xi32, #tpu.memory_space<vmem>> -> memref<80xi32, #tpu.memory_space<vmem>>
    %dma_wait3A_67 = arith.constant 0 : i32
    %dma_wait3A_68 = arith.constant 0 : i32
    %dma_wait3A_69 = tpu.memref_slice %arg9[%dma_wait3A_67, %dma_wait3A_68] : memref<10112x128xf32, #tpu.memory_space<vmem_shared>> -> memref<10112x128xf32, #tpu.memory_space<vmem_shared>>
    tpu.wait_indirect_dma semaphore(%arg27 : memref<!tpu.dma_semaphore, #tpu.memory_space<semaphore_mem>>) src(%arg18 : memref<80x128xf32, #tpu.memory_space<vmem>>) dst(%dma_wait3A_69 : memref<10112x128xf32, #tpu.memory_space<vmem_shared>>)
    %dma_wait3A_70 = arith.constant 122 : i32
    %dma_wait3A_71 = arith.constant 0 : i32
    %dma_wait3A_72 = tpu.memref_slice %arg11[%dma_wait3A_70, %dma_wait3A_71] : memref<125x80xi32, #tpu.memory_space<vmem>> -> memref<1x80xi32, #tpu.memory_space<vmem>>
    %dma_wait3A_73 = tpu.memref_squeeze %dma_wait3A_72 : memref<1x80xi32, #tpu.memory_space<vmem>> -> memref<80xi32, #tpu.memory_space<vmem>>
    %dma_wait3A_74 = arith.constant 0 : i32
    %dma_wait3A_75 = arith.constant 0 : i32
    %dma_wait3A_76 = tpu.memref_slice %arg10[%dma_wait3A_74, %dma_wait3A_75] : memref<10112x8xf32, #tpu.memory_space<vmem_shared>> -> memref<10112x8xf32, #tpu.memory_space<vmem_shared>>
    tpu.wait_indirect_dma semaphore(%arg30 : memref<!tpu.dma_semaphore, #tpu.memory_space<semaphore_mem>>) src(%arg12 : memref<80x8xf32, #tpu.memory_space<vmem>>) dst(%dma_wait3A_76 : memref<10112x8xf32, #tpu.memory_space<vmem_shared>>)
    %dma_wait3A_77 = arith.constant 123 : i32
    %dma_wait3A_78 = arith.constant 0 : i32
    %dma_wait3A_79 = tpu.memref_slice %arg11[%dma_wait3A_77, %dma_wait3A_78] : memref<125x80xi32, #tpu.memory_space<vmem>> -> memref<1x80xi32, #tpu.memory_space<vmem>>
    %dma_wait3A_80 = tpu.memref_squeeze %dma_wait3A_79 : memref<1x80xi32, #tpu.memory_space<vmem>> -> memref<80xi32, #tpu.memory_space<vmem>>
    %dma_wait3A_81 = arith.constant 0 : i32
    %dma_wait3A_82 = arith.constant 0 : i32
    %dma_wait3A_83 = tpu.memref_slice %arg9[%dma_wait3A_81, %dma_wait3A_82] : memref<10112x128xf32, #tpu.memory_space<vmem_shared>> -> memref<10112x128xf32, #tpu.memory_space<vmem_shared>>
    tpu.wait_indirect_dma semaphore(%arg25 : memref<!tpu.dma_semaphore, #tpu.memory_space<semaphore_mem>>) src(%arg16 : memref<80x128xf32, #tpu.memory_space<vmem>>) dst(%dma_wait3A_83 : memref<10112x128xf32, #tpu.memory_space<vmem_shared>>)
    %dma_wait3A_84 = arith.constant 123 : i32
    %dma_wait3A_85 = arith.constant 0 : i32
    %dma_wait3A_86 = tpu.memref_slice %arg11[%dma_wait3A_84, %dma_wait3A_85] : memref<125x80xi32, #tpu.memory_space<vmem>> -> memref<1x80xi32, #tpu.memory_space<vmem>>
    %dma_wait3A_87 = tpu.memref_squeeze %dma_wait3A_86 : memref<1x80xi32, #tpu.memory_space<vmem>> -> memref<80xi32, #tpu.memory_space<vmem>>
    %dma_wait3A_88 = arith.constant 0 : i32
    %dma_wait3A_89 = arith.constant 0 : i32
    %dma_wait3A_90 = tpu.memref_slice %arg10[%dma_wait3A_88, %dma_wait3A_89] : memref<10112x8xf32, #tpu.memory_space<vmem_shared>> -> memref<10112x8xf32, #tpu.memory_space<vmem_shared>>
    tpu.wait_indirect_dma semaphore(%arg28 : memref<!tpu.dma_semaphore, #tpu.memory_space<semaphore_mem>>) src(%arg12 : memref<80x8xf32, #tpu.memory_space<vmem>>) dst(%dma_wait3A_90 : memref<10112x8xf32, #tpu.memory_space<vmem_shared>>)
    %dma_wait3A_91 = arith.constant 124 : i32
    %dma_wait3A_92 = arith.constant 0 : i32
    %dma_wait3A_93 = tpu.memref_slice %arg11[%dma_wait3A_91, %dma_wait3A_92] : memref<125x80xi32, #tpu.memory_space<vmem>> -> memref<1x80xi32, #tpu.memory_space<vmem>>
    %dma_wait3A_94 = tpu.memref_squeeze %dma_wait3A_93 : memref<1x80xi32, #tpu.memory_space<vmem>> -> memref<80xi32, #tpu.memory_space<vmem>>
    %dma_wait3A_95 = arith.constant 0 : i32
    %dma_wait3A_96 = arith.constant 0 : i32
    %dma_wait3A_97 = tpu.memref_slice %arg9[%dma_wait3A_95, %dma_wait3A_96] : memref<10112x128xf32, #tpu.memory_space<vmem_shared>> -> memref<10112x128xf32, #tpu.memory_space<vmem_shared>>
    tpu.wait_indirect_dma semaphore(%arg26 : memref<!tpu.dma_semaphore, #tpu.memory_space<semaphore_mem>>) src(%arg17 : memref<80x128xf32, #tpu.memory_space<vmem>>) dst(%dma_wait3A_97 : memref<10112x128xf32, #tpu.memory_space<vmem_shared>>)
    %dma_wait3A_98 = arith.constant 124 : i32
    %dma_wait3A_99 = arith.constant 0 : i32
    %dma_wait3A_100 = tpu.memref_slice %arg11[%dma_wait3A_98, %dma_wait3A_99] : memref<125x80xi32, #tpu.memory_space<vmem>> -> memref<1x80xi32, #tpu.memory_space<vmem>>
    %dma_wait3A_101 = tpu.memref_squeeze %dma_wait3A_100 : memref<1x80xi32, #tpu.memory_space<vmem>> -> memref<80xi32, #tpu.memory_space<vmem>>
    %dma_wait3A_102 = arith.constant 0 : i32
    %dma_wait3A_103 = arith.constant 0 : i32
    %dma_wait3A_104 = tpu.memref_slice %arg10[%dma_wait3A_102, %dma_wait3A_103] : memref<10112x8xf32, #tpu.memory_space<vmem_shared>> -> memref<10112x8xf32, #tpu.memory_space<vmem_shared>>
    tpu.wait_indirect_dma semaphore(%arg29 : memref<!tpu.dma_semaphore, #tpu.memory_space<semaphore_mem>>) src(%arg12 : memref<80x8xf32, #tpu.memory_space<vmem>>) dst(%dma_wait3A_104 : memref<10112x8xf32, #tpu.memory_space<vmem_shared>>)
    %barrier3A_105 = arith.constant 0 : index
    tpu.barrier barrier_id(%barrier3A_105)
    "tpu.region"() ({
      %run_scoped3A_106 = tpu.sem_alloc : memref<!tpu.dma_semaphore, #tpu.memory_space<semaphore_mem>>
      %dma_start3A_107 = arith.constant 0 : i32
      %dma_start3A_108 = tpu.memref_slice %arg7[%arg0, %mul3A_2, %dma_start3A_107] : memref<2x10112x128xf32, #tpu.memory_space<hbm>> -> memref<1x632x128xf32, #tpu.memory_space<hbm>>
      %dma_start3A_109 = tpu.memref_squeeze %dma_start3A_108 : memref<1x632x128xf32, #tpu.memory_space<hbm>> -> memref<632x128xf32, #tpu.memory_space<hbm>>
      %dma_start3A_110 = arith.constant 0 : i32
      %dma_start3A_111 = tpu.memref_slice %arg9[%mul3A_2, %dma_start3A_110] : memref<10112x128xf32, #tpu.memory_space<vmem_shared>> -> memref<632x128xf32, #tpu.memory_space<vmem_shared>>
      tpu.enqueue_dma source(%dma_start3A_111 : memref<632x128xf32, #tpu.memory_space<vmem_shared>>) target(%dma_start3A_109 : memref<632x128xf32, #tpu.memory_space<hbm>>) target_semaphore(%run_scoped3A_106 : memref<!tpu.dma_semaphore, #tpu.memory_space<semaphore_mem>>)
      %dma_wait3A_112 = arith.constant 0 : i32
      %dma_wait3A_113 = tpu.memref_slice %arg7[%arg0, %mul3A_2, %dma_wait3A_112] : memref<2x10112x128xf32, #tpu.memory_space<hbm>> -> memref<1x632x128xf32, #tpu.memory_space<hbm>>
      %dma_wait3A_114 = tpu.memref_squeeze %dma_wait3A_113 : memref<1x632x128xf32, #tpu.memory_space<hbm>> -> memref<632x128xf32, #tpu.memory_space<hbm>>
      %dma_wait3A_115 = arith.constant 0 : i32
      %dma_wait3A_116 = tpu.memref_slice %arg9[%mul3A_2, %dma_wait3A_115] : memref<10112x128xf32, #tpu.memory_space<vmem_shared>> -> memref<632x128xf32, #tpu.memory_space<vmem_shared>>
      tpu.wait_dma2 semaphore(%run_scoped3A_106 : memref<!tpu.dma_semaphore, #tpu.memory_space<semaphore_mem>>) src(%dma_wait3A_116 : memref<632x128xf32, #tpu.memory_space<vmem_shared>>) dst(%dma_wait3A_114 : memref<632x128xf32, #tpu.memory_space<hbm>>)
      tpu.yield
    }) : () -> ()
    "tpu.region"() ({
      %run_scoped3A_106 = tpu.sem_alloc : memref<!tpu.dma_semaphore, #tpu.memory_space<semaphore_mem>>
      %dma_start3A_107 = arith.constant 0 : i32
      %dma_start3A_108 = tpu.memref_slice %arg8[%arg0, %mul3A_2, %dma_start3A_107] : memref<2x10112x8xf32, #tpu.memory_space<hbm>> -> memref<1x632x8xf32, #tpu.memory_space<hbm>>
      %dma_start3A_109 = tpu.memref_squeeze %dma_start3A_108 : memref<1x632x8xf32, #tpu.memory_space<hbm>> -> memref<632x8xf32, #tpu.memory_space<hbm>>
      %dma_start3A_110 = arith.constant 0 : i32
      %dma_start3A_111 = tpu.memref_slice %arg10[%mul3A_2, %dma_start3A_110] : memref<10112x8xf32, #tpu.memory_space<vmem_shared>> -> memref<632x8xf32, #tpu.memory_space<vmem_shared>>
      tpu.enqueue_dma source(%dma_start3A_111 : memref<632x8xf32, #tpu.memory_space<vmem_shared>>) target(%dma_start3A_109 : memref<632x8xf32, #tpu.memory_space<hbm>>) target_semaphore(%run_scoped3A_106 : memref<!tpu.dma_semaphore, #tpu.memory_space<semaphore_mem>>)
      %dma_wait3A_112 = arith.constant 0 : i32
      %dma_wait3A_113 = tpu.memref_slice %arg8[%arg0, %mul3A_2, %dma_wait3A_112] : memref<2x10112x8xf32, #tpu.memory_space<hbm>> -> memref<1x632x8xf32, #tpu.memory_space<hbm>>
      %dma_wait3A_114 = tpu.memref_squeeze %dma_wait3A_113 : memref<1x632x8xf32, #tpu.memory_space<hbm>> -> memref<632x8xf32, #tpu.memory_space<hbm>>
      %dma_wait3A_115 = arith.constant 0 : i32
      %dma_wait3A_116 = tpu.memref_slice %arg10[%mul3A_2, %dma_wait3A_115] : memref<10112x8xf32, #tpu.memory_space<vmem_shared>> -> memref<632x8xf32, #tpu.memory_space<vmem_shared>>
      tpu.wait_dma2 semaphore(%run_scoped3A_106 : memref<!tpu.dma_semaphore, #tpu.memory_space<semaphore_mem>>) src(%dma_wait3A_116 : memref<632x8xf32, #tpu.memory_space<vmem_shared>>) dst(%dma_wait3A_114 : memref<632x8xf32, #tpu.memory_space<hbm>>)
      tpu.yield
    }) : () -> ()
    return
  }
}

module attributes {stable_mosaic.version = 14 : i64} {
  func.func @body(%arg0: i32, %arg1: memref<1000x128xf32, #tpu.memory_space<vmem>>, %arg2: memref<1000x128xf32, #tpu.memory_space<vmem>>, %arg3: memref<128x128xf32, #tpu.memory_space<vmem>>, %arg4: memref<1x128xf32, #tpu.memory_space<vmem>>, %arg5: memref<128x128xf32, #tpu.memory_space<vmem>>, %arg6: memref<1x128xf32, #tpu.memory_space<vmem>>, %arg7: memref<1x128xf32, #tpu.memory_space<vmem>>, %arg8: memref<1000x128xf32, #tpu.memory_space<vmem>>) attributes {dimension_semantics = [#tpu.dimension_semantics<arbitrary>], iteration_bounds = array<i64: 10>, scalar_prefetch = 0 : i64, scratch_operands = 0 : i64, tpu.core_type = #tpu.core_type<tc>, window_params = [{transform_indices = @transform_0, window_bounds = array<i64: 1000, 128>}, {transform_indices = @transform_1, window_bounds = array<i64: 1000, 128>}, {pipeline_mode = #tpu.pipeline_mode<synchronous>, transform_indices = @transform_2, window_bounds = array<i64: 128, 128>}, {pipeline_mode = #tpu.pipeline_mode<synchronous>, transform_indices = @transform_3, window_bounds = array<i64: 1, 128>}, {pipeline_mode = #tpu.pipeline_mode<synchronous>, transform_indices = @transform_4, window_bounds = array<i64: 128, 128>}, {pipeline_mode = #tpu.pipeline_mode<synchronous>, transform_indices = @transform_5, window_bounds = array<i64: 1, 128>}, {pipeline_mode = #tpu.pipeline_mode<synchronous>, transform_indices = @transform_6, window_bounds = array<i64: 1, 128>}, {transform_indices = @transform_7, window_bounds = array<i64: 1000, 128>}]} {
    %get3A = arith.constant 0 : index
    %get3A_0 = arith.constant 0 : index
    %get3A_1 = vector.load %arg2[%get3A, %get3A_0] : memref<1000x128xf32, #tpu.memory_space<vmem>>, vector<1000x128xf32>
    %get3A_2 = arith.constant 0 : index
    %get3A_3 = arith.constant 0 : index
    %get3A_4 = vector.load %arg3[%get3A_2, %get3A_3] : memref<128x128xf32, #tpu.memory_space<vmem>>, vector<128x128xf32>
    %dot_general3A = arith.constant dense<0.000000e+00> : vector<1000x128xf32>
    %dot_general3A_5 = tpu.matmul %get3A_1, %get3A_4, %dot_general3A {dimension_numbers = #tpu.dot_dimension_numbers<[1], [1], [0], [0], [0, 0, 1, 0], [], []>, transpose_lhs_hint = false} : vector<1000x128xf32>, vector<128x128xf32>, vector<1000x128xf32> -> vector<1000x128xf32>
    %get3A_6 = arith.constant 0 : index
    %get3A_7 = arith.constant 0 : index
    %get3A_8 = vector.load %arg4[%get3A_6, %get3A_7] : memref<1x128xf32, #tpu.memory_space<vmem>>, vector<1x128xf32>
    %add3A = vector.broadcast %get3A_8 : vector<1x128xf32> to vector<1000x128xf32>
    %add3A_9 = arith.addf %dot_general3A_5, %add3A : vector<1000x128xf32>
    %get3A_10 = arith.constant 0 : index
    %get3A_11 = arith.constant 0 : index
    %get3A_12 = vector.load %arg1[%get3A_10, %get3A_11] : memref<1000x128xf32, #tpu.memory_space<vmem>>, vector<1000x128xf32>
    %get3A_13 = arith.constant 0 : index
    %get3A_14 = arith.constant 0 : index
    %get3A_15 = vector.load %arg5[%get3A_13, %get3A_14] : memref<128x128xf32, #tpu.memory_space<vmem>>, vector<128x128xf32>
    %dot_general3A_16 = arith.constant dense<0.000000e+00> : vector<1000x128xf32>
    %dot_general3A_17 = tpu.matmul %get3A_12, %get3A_15, %dot_general3A_16 {dimension_numbers = #tpu.dot_dimension_numbers<[1], [1], [0], [0], [0, 0, 1, 0], [], []>, transpose_lhs_hint = false} : vector<1000x128xf32>, vector<128x128xf32>, vector<1000x128xf32> -> vector<1000x128xf32>
    %get3A_18 = arith.constant 0 : index
    %get3A_19 = arith.constant 0 : index
    %get3A_20 = vector.load %arg6[%get3A_18, %get3A_19] : memref<1x128xf32, #tpu.memory_space<vmem>>, vector<1x128xf32>
    %add3A_21 = vector.broadcast %get3A_20 : vector<1x128xf32> to vector<1000x128xf32>
    %add3A_22 = arith.addf %dot_general3A_17, %add3A_21 : vector<1000x128xf32>
    %add3A_23 = arith.addf %add3A_9, %add3A_22 : vector<1000x128xf32>
    %mul3A = arith.constant 5.000000e-01 : f32
    %mul3A_24 = vector.broadcast %mul3A : f32 to vector<1000x128xf32>
    %mul3A_25 = arith.mulf %add3A_23, %mul3A_24 : vector<1000x128xf32>
    %get3A_26 = arith.constant 0 : index
    %get3A_27 = arith.constant 0 : index
    %get3A_28 = vector.load %arg7[%get3A_26, %get3A_27] : memref<1x128xf32, #tpu.memory_space<vmem>>, vector<1x128xf32>
    %add3A_29 = vector.broadcast %get3A_28 : vector<1x128xf32> to vector<1000x128xf32>
    %add3A_30 = arith.addf %mul3A_25, %add3A_29 : vector<1000x128xf32>
    %swap3A = arith.constant 0 : index
    %swap3A_31 = arith.constant 0 : index
    %swap3A_32 = vector.load %arg8[%swap3A, %swap3A_31] : memref<1000x128xf32, #tpu.memory_space<vmem>>, vector<1000x128xf32>
    tpu.vector_store %arg8[%swap3A, %swap3A_31], %add3A_30 {strides = array<i32>} : memref<1000x128xf32, #tpu.memory_space<vmem>>, vector<1000x128xf32>,
    return
  }
  func.func @transform_0(%arg0: i32) -> (i32, i32) {
    %c0_i32 = arith.constant 0 : i32
    %c0_i32_0 = arith.constant 0 : i32
    return %arg0, %c0_i32 : i32, i32
  }
  func.func @transform_1(%arg0: i32) -> (i32, i32) {
    %c0_i32 = arith.constant 0 : i32
    %c0_i32_0 = arith.constant 0 : i32
    return %arg0, %c0_i32 : i32, i32
  }
  func.func @transform_2(%arg0: i32) -> (i32, i32) {
    %c0_i32 = arith.constant 0 : i32
    %c0_i32_0 = arith.constant 0 : i32
    %c0_i32_1 = arith.constant 0 : i32
    return %c0_i32, %c0_i32_0 : i32, i32
  }
  func.func @transform_3(%arg0: i32) -> (i32, i32) {
    %c0_i32 = arith.constant 0 : i32
    %c0_i32_0 = arith.constant 0 : i32
    %c0_i32_1 = arith.constant 0 : i32
    return %c0_i32, %c0_i32_0 : i32, i32
  }
  func.func @transform_4(%arg0: i32) -> (i32, i32) {
    %c0_i32 = arith.constant 0 : i32
    %c0_i32_0 = arith.constant 0 : i32
    %c0_i32_1 = arith.constant 0 : i32
    return %c0_i32, %c0_i32_0 : i32, i32
  }
  func.func @transform_5(%arg0: i32) -> (i32, i32) {
    %c0_i32 = arith.constant 0 : i32
    %c0_i32_0 = arith.constant 0 : i32
    %c0_i32_1 = arith.constant 0 : i32
    return %c0_i32, %c0_i32_0 : i32, i32
  }
  func.func @transform_6(%arg0: i32) -> (i32, i32) {
    %c0_i32 = arith.constant 0 : i32
    %c0_i32_0 = arith.constant 0 : i32
    %c0_i32_1 = arith.constant 0 : i32
    return %c0_i32, %c0_i32_0 : i32, i32
  }
  func.func @transform_7(%arg0: i32) -> (i32, i32) {
    %c0_i32 = arith.constant 0 : i32
    %c0_i32_0 = arith.constant 0 : i32
    return %arg0, %c0_i32 : i32, i32
  }
}

</mosaic_0001>

<sc_bundles>
// kernel: kernel.4.cloned.1.call-start
scs
__scs_entry_jumppad:
0x0: {  	(pc) =	sbr.rel $0x88, $3  }
0x1: {  	(tag) =	ssettag $0x0;
	lr =	simm.s32 $0x1  }
0x2: {  	[smem:$0x3F9A] =	sst lr;
	_ =	strace $0xD0000000  }
0x3: {  	_ = 	snop  }
0x4: {  	_ = 	snop  }
0x5: {  	_ = 	snop  }
0x6: {  	_ = 	snop  }
0x7: {  	_ = 	snop  }
__scs_overlays_trampoline_lowered:
0x8: {  	[smem:$0x3FA9] =	sst s0  }
0x9: {  	[smem:$0x3FAA] =	sst s1  }
0xa: {  	[smem:$0x3FAB] =	sst s2  }
0xb: {  	[smem:$0x3FAC] =	sst s3  }
0xc: {  	[smem:$0x3FAD] =	sst s4  }
0xd: {  	[smem:$0x3FAE] =	sst s5  }
0xe: {  	[smem:$0x3FAF] =	sst s6  }
0xf: {  	[smem:$0x3FB0] =	sst s7  }
0x10: {  	[smem:$0x3FB1] =	sst s8  }
0x11: {  	[smem:$0x3FB2] =	sst s9;
	s0 =	simm.s32 @!p0 $0x0  }
0x12: {  	s1 =	sld [smem:$0x3F98];
	s0 =	simm.s32 @p0 $0x1  }
0x13: {  	[smem:$0x3FB3] =	sst s0;
	s0 =	simm.s32 @!p1 $0x0  }
0x14: {  	s2 =	sld [smem:$0x3F97];
	s0 =	simm.s32 @p1 $0x1  }
0x15: {  	[smem:$0x3FB4] =	sst s0;
	s0 =	simm.s32 @!p2 $0x0  }
0x16: {  	s3 =	sld [smem:$0x3FDB];
	s0 =	simm.s32 @p2 $0x1  }
0x17: {  	s4 =	simm.s32 $0x1BF5;
	[smem:$0x3FB6] =	sst s0  }
0x18: {  	s0 =	sld [smem:$0x3F99];
	_ =	swait.ge [sflag:s4], $0x0  }
0x19: {  	s7 =	sld [smem:$0x3F9A]  }
0x1a: {  	s8 =	sadd.s32 $0xFFFFE003, lr  }
0x1b: {  	s9 =	sadd.s32 $0xFFFFFEF7, lr;
	s5 =	simm.s32 $0xFFFFFFFF;
	p2 =	slt.u32 s8, $0xFFFFF086  }
0x1c: {  	p1 =	slt.u32 s9, $0xF7A;
	s5 =	simm.s32 @!p2 $0x0  }
0x1d: {  	s5 =	simm.s32 @p1 $0x1;
	p0 =	seq.s32 s7, s2  }
0x1e: {  	s7 =	smul.u32 @!p0 $0xF7A, s2;
	p2 =	seq.s32 @!p0 s5, $0x0  }
0x1f: {  	s9 =	smul.u32 $0xF7A, s1;
	s8 =	simm.s32 @!p0 $0x1BF5;
	p2 =	por !p2, p0  }
0x20: {  	[sflag:s8] =	ssyncset.s32 @!p0 $0xFFFFF086;
	s6 =	sadd.s32 @!p0 s3, s7;
	s7 =	simm.s32 @!p0 $0x108  }
0x21: {  	s3 =	sadd.s32 s3, s9;
	s6 =	sadd.s32 @!p0 $0x88, s6;
	s7 =	simm.s32 @p2 $0x1082  }
0x22: {  	[simem:s7], [sflag:s8] =	dma.local @!p0 [hbm:s6], $0xF7A  }
0x23: {  	s9 =	sor.u32 $0xD0000000, s2;
	s6 =	simm.s32 $0x108;
	_ =	swait.ge @!p0 [sflag:s8], $0x0  }
0x24: {  	s3 =	sadd.s32 $0x88, s3;
	s6 =	simm.s32 @!p1 $0x1082;
	[sflag:s4] =	ssyncset.s32 $0xFFFFF086  }
0x25: {  	[simem:s6], [sflag:s4] =	dma.local [hbm:s3], $0xF7A  }
0x26: {  	[smem:$0x3F9A] =	sst s1;
	(tag) =	ssettag s2;
	_ =	strace s9  }
0x27: {  	s1 =	sld [smem:$0x3FAA]  }
0x28: {  	s2 =	sld [smem:$0x3FAB]  }
0x29: {  	s4 =	sld [smem:$0x3FAD]  }
0x2a: {  	p0 =	seq.s32 s5, $0x0;
	s5 =	sld [smem:$0x3FAE]  }
0x2b: {  	s6 =	sld [smem:$0x3FAF]  }
0x2c: {  	s7 =	sld [smem:$0x3FB0]  }
0x2d: {  	s3 =	simm.s32 $0x108;
	s8 =	sld [smem:$0x3FB1]  }
0x2e: {  	s3 =	simm.s32 @!p0 $0x1082;
	s9 =	sld [smem:$0x3FB2]  }
0x2f: {  	lr =	sadd.s32 s0, s3;
	s0 =	sld [smem:$0x3FA9]  }
0x30: {  	s3 =	sld [smem:$0x3FAC]  }
0x31: {  	[smem:$0x3FB5] =	sst s10  }
0x32: {  	s10 =	sld [smem:$0x3FB3];
	_ =	sdelay $0x3  }
0x33: {  	p0 =	seq.s32 s10, $0x1;
	s10 =	sld [smem:$0x3FB5];
	_ =	sdelay $0x3  }
0x34: {  	[smem:$0x3FB5] =	sst s10  }
0x35: {  	s10 =	sld [smem:$0x3FB4];
	_ =	sdelay $0x3  }
0x36: {  	p1 =	seq.s32 s10, $0x1;
	s10 =	sld [smem:$0x3FB5];
	_ =	sdelay $0x3  }
0x37: {  	[smem:$0x3FB5] =	sst s10  }
0x38: {  	s10 =	sld [smem:$0x3FB6]  }
0x39: {  	_ = 	snop;
	(pc) =	sbr.ind lr, $3  }
0x3a: {  	_ = 	snop  }
0x3b: {  	_ = 	snop  }
0x3c: {  	p2 =	seq.s32 s10, $0x1;
	s10 =	sld [smem:$0x3FB5]  }
0x3d: {  	_ =	shalt  }
0x3e: {  	_ =	shalt  }
0x3f: {  	_ =	shalt  }
0x40: {  	_ =	shalt  }
0x41: {  	_ =	shalt  }
0x42: {  	_ =	shalt  }
0x43: {  	_ =	shalt  }
0x44: {  	_ =	shalt  }
0x45: {  	_ =	shalt  }
0x46: {  	_ =	shalt  }
0x47: {  	_ =	shalt  }
0x48: {  	_ =	shalt  }
0x49: {  	_ =	shalt  }
0x4a: {  	_ =	shalt  }
0x4b: {  	_ =	shalt  }
0x4c: {  	_ =	shalt  }
0x4d: {  	_ =	shalt  }
0x4e: {  	_ =	shalt  }
0x4f: {  	_ =	shalt  }
0x50: {  	_ =	shalt  }
0x51: {  	_ =	shalt  }
0x52: {  	_ =	shalt  }
0x53: {  	_ =	shalt  }
0x54: {  	_ =	shalt  }
0x55: {  	_ =	shalt  }
0x56: {  	_ =	shalt  }
0x57: {  	_ =	shalt  }
0x58: {  	_ =	shalt  }
0x59: {  	_ =	shalt  }
0x5a: {  	_ =	shalt  }
0x5b: {  	_ =	shalt  }
0x5c: {  	_ =	shalt  }
0x5d: {  	_ =	shalt  }
0x5e: {  	_ =	shalt  }
0x5f: {  	_ =	shalt  }
0x60: {  	_ =	shalt  }
0x61: {  	_ =	shalt  }
0x62: {  	_ =	shalt  }
0x63: {  	_ =	shalt  }
0x64: {  	_ =	shalt  }
0x65: {  	_ =	shalt  }
0x66: {  	_ =	shalt  }
0x67: {  	_ =	shalt  }
0x68: {  	_ =	shalt  }
0x69: {  	_ =	shalt  }
0x6a: {  	_ =	shalt  }
0x6b: {  	_ =	shalt  }
0x6c: {  	_ =	shalt  }
0x6d: {  	_ =	shalt  }
0x6e: {  	_ =	shalt  }
0x6f: {  	_ =	shalt  }
0x70: {  	_ =	shalt  }
0x71: {  	_ =	shalt  }
0x72: {  	_ =	shalt  }
0x73: {  	_ =	shalt  }
0x74: {  	_ =	shalt  }
0x75: {  	_ =	shalt  }
0x76: {  	_ =	shalt  }
0x77: {  	_ =	shalt  }
0x78: {  	_ =	shalt  }
0x79: {  	_ =	shalt  }
0x7a: {  	_ =	shalt  }
0x7b: {  	_ =	shalt  }
0x7c: {  	_ =	shalt  }
0x7d: {  	_ =	shalt  }
0x7e: {  	_ =	shalt  }
0x7f: {  	_ =	shalt  }
0x80: {  	_ =	shalt  }
0x81: {  	_ =	shalt  }
0x82: {  	_ =	shalt  }
0x83: {  	_ =	shalt  }
0x84: {  	_ =	shalt  }
0x85: {  	_ =	shalt  }
0x86: {  	_ =	shalt  }
0x87: {  	_ =	shalt  }
.Lfunc_end0:
.L_simem_size_0:
called_computation_lowered:
.L_overlay_start_0:
0x88: {  	s2 =	sld [smem:$0x3FD9]  }
0x89: {  	s3 =	sld [smem:$0x3FFE];
	_ =	sdelay $0x1  }
0x8a: {  	s1 =	srdreg.scid  }
0x8b: {  	s0 =	sand.u32 $0x1, s1  }
0x8c: {  	s17 =	sshll.u32 s0, $0xA;
	s2 =	sadd.s32 s3, s2  }
0x8d: {  	s2 =	sadd.s32 s2, s17  }
0x8e: {  	[smem:$0x3FC1] =	sst s2  }
0x8f: {  	_ = 	snop  }
0x90: {  	s2 =	sld [smem:$0x3FC9]  }
0x91: {  	s18 =	sld [smem:$0x3FD0];
	(tm) =	ssettm $0x1  }
0x92: {  	s4 =	sld [smem:$0x3FFB];
	_ =	sdelay $0x3  }
0x93: {  	_ =	strace s4  }
0x94: {  	s4 =	sld [smem:$0x3FFC];
	_ =	sdelay $0x3  }
0x95: {  	_ =	strace s4  }
0x96: {  	s4 =	sld [smem:$0x3FFD];
	_ =	sdelay $0x3  }
0x97: {  	_ =	strace s4  }
0x98: {  	_ =	strace $0x8FFFFFFF  }
0x99: {  	s19 =	sld [smem:$0x3FDB];
	_ =	sdelay $0x1  }
0x9a: {  	s5 =	simm.s32 $_scs_section_size  }
0x9b: {  	s6 =	simm.s32 $_size__tile_overlayer_lowered;
	s7 =	simm.s32 $_tile_overlayer_lowered  }
0x9c: {  	s22 =	simm.s32 $0x1BFF;
	s21 =	sshll.u32 s7, $0x1;
	s4 =	sadd.s32 s5, s19  }
0x9d: {  	s8 =	simm.s32 $0x0;
	s20 =	sshll.u32 s6, $0x1;
	s6 =	sadd.s32 s21, s4  }
0x9e: {  	[timem:s8], [sflag:s22] =	dma.local [hbm:s6], s20  }
0x9f: {  	_ =	swait.ge [sflag:s22], s20  }
0xa0: {  	s5 =	ssub.s32 $0x0, s20;
	[sflag:s22] =	ssyncset.done $0x0  }
0xa1: {  	[sflag:s22] =	ssyncadd.s32 s5;
	_ =	sdelay $0x1  }
0xa2: {  	s23 =	simm.s32 $0x1B8B  }
0xa3: {  	_ =	swait.ge [sflag:s23], $0x1  }
0xa4: {  	[sflag:s23] =	ssyncset.done $0x0  }
0xa5: {  	s25 =	simm.s32 $0x1B8E;
	s24 =	sld [smem:$0x3FFE];
	[sflag:s23] =	ssyncadd.s32 $0xFFFFFFFF  }
0xa6: {  	s26 =	simm.s32 $execute0_lowered;
	[smem:$0x3FD2] =	sst s25  }
0xa7: {  	s6 =	sshll.u32 s26, $0x1;
	_ =	strace $0x80000046;
	[dreg:$0x1] =	wrdreg $0xFFFFFFFF  }
0xa8: {  	s28 =	simm.s32 $_size_execute0_lowered;
	s4 =	sadd.s32 s4, s6;
	[dreg:$0x0] =	wrdreg $0x0  }
0xa9: {  	s6 =	sshll.u32 s28, $0x1;
	[dreg:$0x2] =	wrdreg s4  }
0xaa: {  	[dreg:$0x3] =	wrdreg s6  }
0xab: {  	[dreg:$0x4] =	wrdreg $0xC0  }
0xac: {  	_ =	task [dreg:s8], $0x5FFFF  }
0xad: {  	[dreg:$0x1] =	wrdreg $0xFFFFFFFF  }
0xae: {  	[dreg:$0x0] =	wrdreg $0x60  }
0xaf: {  	[dreg:$0x2] =	wrdreg s2  }
0xb0: {  	[dreg:$0x3] =	wrdreg s18  }
0xb1: {  	[dreg:$0x4] =	wrdreg s24  }
0xb2: {  	[dreg:$0x5] =	wrdreg $0x0  }
0xb3: {  	[dreg:$0x6] =	wrdreg $0x13C000  }
0xb4: {  	[dreg:$0x7] =	wrdreg $0x9  }
0xb5: {  	_ =	task.clear_ibuf [dreg:s8], $0x8FFFF;
	_ =	strace $0x90000046  }
0xb6: {  	s29 =	simm.s32 $0x9;
	_ =	strace $0x80000048  }
0xb7: {  	_ =	swait.ge [sflag:s29], $0x1  }
0xb8: {  	[sflag:s29] =	ssyncadd.s32 $0xFFFFFFFF  }
0xb9: {  	_ =	strace $0x90000048  }
0xba: {  	_ =	sfence  }
0xbb: {  	s30 =	sld [smem:$0x0];
	_ =	sdelay $0x2  }
0xbc: {  	s31 =	sshll.u32 s1, $0xD;
	s1 =	sshrl.u32 s1, $0x2  }
0xbd: {  	s3 =	sand.u32 $0x4000, s31;
	s1 =	sadd.s32 s1, s30  }
0xbe: {  	s0 =	sor.u32 s3, s0;
	s1 =	sshll.u32 s1, $0x11  }
0xbf: {  	s0 =	sor.u32 s1, s0  }
0xc0: {  	s0 =	sadd.s32 $0x8F2B, s0  }
0xc1: {  	[sflag:s0] =	ssyncadd.remote.s32 $0x1  }
0xc2: {  	_ =	sfence.sel $0xFFFF  }
0xc3: {  	[dreg:$0x0] =	wrdreg $0xFFFFFFFF;
	(pc) =	sbr.abs _section_cstart, $3  }
0xc4: {  	[dreg:$0x1] =	wrdreg $0xFFFFFFFF  }
0xc5: {  	_ =	task.clear_ibuf [dreg:s8], $0x2FFFF;
	_ =	strace $0x9FFFFFFF  }
0xc6: {  	(tm) =	ssettm $0x7FFFFFFF  }
0xc7: {  	_ =	shalt  }
tec
execute0_lowered:
.L_overlay_start_1:
0x0: {  	(tag) =	ssettag $0x1  }
0x1: {  	s1 =	rddreg [dreg:$0x0]  }
0x2: {  	s0 =	rddreg [dreg:$0x1]  }
0x3: {  	s2 =	rddreg [dreg:$0x2]  }
0x4: {  	s3 =	rddreg [dreg:$0x3]  }
0x5: {  	s4 =	rddreg [dreg:$0x4];
	s6 =	srdreg.scid  }
0x6: {  	s13 =	stileid.u32;
	s5 =	simm.s32 $0x0;
	s28 =	simm.s32 $0x179A0  }
0x7: {  	s29 =	simm.s32 $0x179F0;
	s30 =	simm.s32 $0x50;
	s31 =	simm.s32 $0x17A40  }
0x8: {  	s6 =	sand.u32 $0x1, s6;
	s7 =	smul.u32 $0x13C00, s13;
	[smem:$0x7FF] =	sst s5  }
0x9: {  	s9 =	smul.u32 $0x13C0, s13;
	s10 =	sadd.s32 $0x1800, s2;
	s11 =	sadd.s32 $0x1E00, s2  }
0xa: {  	s19 =	smul.u32 $0x2710, s13;
	_ =	strace $0x80000047;
	[dreg:$0x6] =	wrdreg s10  }
0xb: {  	s15 =	sadd.s32 $0x1A00, s2;
	s8 =	smul.u32 $0x13C000, s6;
	[dreg:$0x7] =	wrdreg s11  }
0xc: {  	s18 =	sshll.u32 s13, $0x6;
	s14 =	smul.u32 $0x13C00, s6;
	[dreg:$0x8] =	wrdreg s15  }
0xd: {  	s16 =	sshll.u32 s6, $0x4;
	s12 =	ssub.s32 $0x2, s6;
	s6 =	smul.u32 $0x27100, s6  }
0xe: {  	s15 =	simm.s32 $0x8;
	s11 =	sor.u32 s13, s16;
	s17 =	sshrl.u32 s12, $0x1  }
0xf: {  	s13 =	simm.s32 $0x6;
	s16 =	simm.s32 $0xB;
	s8 =	sadd.s32 s7, s8  }
0x10: {  	s10 =	sadd.s32 s9, s14;
	s11 =	smul.u32 $0x2710, s11;
	s7 =	sadd.s32 s7, s3  }
0x11: {  	s9 =	sadd.s32 s9, s4;
	s6 =	sadd.s32 s19, s6;
	s14 =	simm.s32 $0x2  }
0x12: {  	s19 =	simm.s32 $0xC;
	s8 =	sshrl.u32 s8, $0x3;
	s10 =	sshrl.u32 s10, $0x3  }
0x13: {  	[dreg:$0xa] =	wrdreg s9;
	s24 =	sadd.s32 $0x1E0, s6;
	s25 =	sadd.s32 $0x190, s6  }
0x14: {  	s6 =	sadd.s32 $0x140, s6;
	s8 =	sadd.s32 s8, s2;
	s2 =	sadd.s32 s10, s2  }
0x15: {  	s10 =	ssub.s32 s12, s17;
	s17 =	sor.u32 $0x1C0D, s18;
	s11 =	sshrl.u32 s11, $0x3  }
0x16: {  	s26 =	sshrl.u32 s25, $0x3;
	s11 =	sadd.s32 s0, s11;
	[dreg:$0x9] =	wrdreg s17  }
0x17: {  	s6 =	sshrl.u32 s6, $0x3;
	s8 =	sadd.s32 $0x9600, s8;
	[dreg:$0xb] =	wrdreg s11  }
0x18: {  	s25 =	simm.s32 $0x176D0;
	s2 =	sadd.s32 $0x4600, s2;
	[dreg:$0x10] =	wrdreg s8  }
0x19: {  	s12 =	simm.s32 $0xA;
	s23 =	smax.u32 s10, $0x1;
	[dreg:$0x11] =	wrdreg s2  }
0x1a: {  	s18 =	simm.s32 $0x9;
	s20 =	sadd.s32 $0x9C40, s11;
	[dreg:$0x12] =	wrdreg s23  }
0x1b: {  	s10 =	simm.s32 $0x7;
	s21 =	sadd.s32 $0xA, s11;
	[dreg:$0xc] =	wrdreg s20  }
0x1c: {  	s22 =	sadd.s32 $0x14, s11;
	s11 =	sadd.s32 $0x1E, s11;
	[dreg:$0xd] =	wrdreg s21  }
0x1d: {  	s2 =	sshrl.u32 s24, $0x3;
	s8 =	simm.s32 $0x1;
	[dreg:$0xe] =	wrdreg s22  }
0x1e: {  	[dreg:$0xf] =	wrdreg s11;
	s2 =	sadd.s32 s2, s0;
	s11 =	sshrl.u32 s7, $0x3  }
.Ltmp0:
0x1f: {  	s21 =	simm.s32 $0xD;
	s7 =	simm.s32 $0x5;
	(pc) =	sbr.rel .LBB2_1-.Ltmp0, $4  }
0x20: {  	s20 =	simm.s32 $0x3;
	s22 =	simm.s32 $0x0;
	[dreg:$0x13] =	wrdreg s2  }
0x21: {  	s2 =	sadd.s32 s26, s0;
	s0 =	sadd.s32 s6, s0;
	[dreg:$0x16] =	wrdreg s11  }
0x22: {  	s26 =	simm.s32 $0x17950;
	s6 =	simm.s32 $0x4;
	[dreg:$0x14] =	wrdreg s2  }
0x23: {  	[dreg:$0x15] =	wrdreg s0;
	s0 =	simm.s32 $0x1A240;
	s2 =	simm.s32 $0x1CA40  }
.LBB2_4:
0x24: {  	_ =	swait.ge [sflag:s7], $0x2800  }
0x25: {  	[sflag:s7] =	ssyncset.done $0x0  }
0x26: {  	s9 =	simm.s32 $0x17680;
	[sflag:s7] =	ssyncadd.s32 $0xFFFFD800  }
0x27: {  	[spmem:s3] =	stream.indirect.scatter.add.f32 [tilespmem:s0], [sflag:$0x8], $0x80, s9, s30, $0xb8;
	[tilespmem:$0x1F240] =	vst v63  }
0x28: {  	_ = 	snop  }
0x29: {  	[spmem:s4] =	stream.indirect.scatter.add.f32 [tilespmem:s25], [sflag:$0xB], $0x8, s9, s30, $0xb8;
	[tilespmem:$0x1F240] =	vst v63  }
0x2a: {  	_ =	swait.ge [sflag:s18], $0x2800  }
0x2b: {  	[sflag:s18] =	ssyncset.done $0x0  }
0x2c: {  	[sflag:s18] =	ssyncadd.s32 $0xFFFFD800  }
0x2d: {  	_ =	swait.ge [sflag:s19], $0x280  }
0x2e: {  	[sflag:s19] =	ssyncset.done $0x0  }
0x2f: {  	[sflag:s19] =	ssyncadd.s32 $0xFFFFFD80  }
0x30: {  	_ =	swait.ge [sflag:s10], $0x2800  }
0x31: {  	[sflag:s10] =	ssyncset.done $0x0  }
0x32: {  	[sflag:s10] =	ssyncadd.s32 $0xFFFFD800  }
0x33: {  	_ =	swait.ge [sflag:s12], $0x280  }
0x34: {  	[sflag:s12] =	ssyncset.done $0x0  }
0x35: {  	[sflag:s12] =	ssyncadd.s32 $0xFFFFFD80  }
0x36: {  	_ =	swait.ge [sflag:s15], $0x2800  }
0x37: {  	[sflag:s15] =	ssyncset.done $0x0  }
0x38: {  	[sflag:s15] =	ssyncadd.s32 $0xFFFFD800  }
0x39: {  	_ =	swait.ge [sflag:s16], $0x280  }
0x3a: {  	[sflag:s16] =	ssyncset.done $0x0  }
0x3b: {  	[sflag:s16] =	ssyncadd.s32 $0xFFFFFD80  }
0x3c: {  	[bflag:$0x0] =	sbarrier.arrive $0xFFFF  }
0x3d: {  	s17 =	rddreg [dreg:$0x9]  }
0x3e: {  	s23 =	rddreg [dreg:$0x10]  }
0x3f: {  	s21 =	simm.s32 $0xD;
	s11 =	rddreg [dreg:$0x16]  }
0x40: {  	[hbm:s23], [sflag:s17] =	dma.local [spmem:s11], $0x2780  }
0x41: {  	_ =	swait.ge [sflag:s21], $0x2780  }
0x42: {  	[sflag:s21] =	ssyncset.done $0x0;
	s24 =	rddreg [dreg:$0x11]  }
0x43: {  	s22 =	rddreg [dreg:$0x18];
	[sflag:s21] =	ssyncadd.s32 $0xFFFFD880  }
0x44: {  	[hbm:s24], [sflag:s17] =	dma.local [spmem:s22], $0x278  }
0x45: {  	_ =	swait.ge [sflag:s21], $0x278  }
0x46: {  	s23 =	rddreg [dreg:$0x17]  }
0x47: {  	s24 =	rddreg [dreg:$0x12];
	s22 =	sadd.s32 $0x1, s23  }
0x48: {  	p0 =	sne.s32 s22, s24  }
.Ltmp1:
0x49: {  	_ = 	snop;
	(pc) =	sbr.rel @!p0 .LBB2_5-.Ltmp1, $3  }
0x4a: {  	_ =	sdelay $0x1  }
0x4b: {  	[sflag:s21] =	ssyncset.done $0x0  }
0x4c: {  	[sflag:s21] =	ssyncadd.s32 $0xFFFFFD88  }
.LBB2_1:
0x4d: {  	[dreg:$0x17] =	wrdreg s22  }
0x4e: {  	s9 =	rddreg [dreg:$0x7]  }
0x4f: {  	[spmem:s11], [sflag:s17] =	dma.local [hbm:s9], $0x2780  }
0x50: {  	_ =	swait.ge [sflag:s21], $0x2780  }
0x51: {  	s24 =	rddreg [dreg:$0xa]  }
0x52: {  	[sflag:s21] =	ssyncset.done $0x0;
	s22 =	rddreg [dreg:$0x8];
	s9 =	sshrl.u32 s24, $0x3  }
0x53: {  	[sflag:s21] =	ssyncadd.s32 $0xFFFFD880;
	[dreg:$0x18] =	wrdreg s9  }
0x54: {  	[spmem:s9], [sflag:s17] =	dma.local [hbm:s22], $0x278  }
0x55: {  	_ =	swait.ge [sflag:s21], $0x278  }
0x56: {  	[sflag:s21] =	ssyncset.done $0x0  }
0x57: {  	s11 =	simm.s32 $0x14FC0;
	s23 =	rddreg [dreg:$0xc];
	[sflag:s21] =	ssyncadd.s32 $0xFFFFFD88  }
0x58: {  	[tilespmem:s11], [sflag:$0xD] =	stream.linear.gather [hbm4b:s23+s5], $0x2710, $0x38;
	[tilespmem:$0x1F240] =	vst v63  }
0x59: {  	_ =	swait.ge [sflag:s21], $0x2710  }
0x5a: {  	[sflag:s21] =	ssyncset.done $0x0  }
0x5b: {  	s24 =	rddreg [dreg:$0x6];
	[sflag:s21] =	ssyncadd.s32 $0xFFFFD8F0  }
0x5c: {  	[tilespmem:s25], [sflag:$0xD] =	stream.linear.gather [hbm4b:s24+s5], $0x280, $0x38;
	[tilespmem:$0x1F240] =	vst v63  }
0x5d: {  	_ =	swait.ge [sflag:s21], $0x280  }
0x5e: {  	[sflag:s21] =	ssyncset.done $0x0  }
0x5f: {  	s17 =	rddreg [dreg:$0xb];
	[sflag:s21] =	ssyncadd.s32 $0xFFFFFD80  }
0x60: {  	[tilespmem:s26], [sflag:$0xD] =	stream.linear.gather [hbm4b:s17+s5], $0x50, $0x38;
	[tilespmem:$0x1F240] =	vst v63  }
0x61: {  	_ =	swait.ge [sflag:s21], $0x50  }
0x62: {  	[sflag:s21] =	ssyncset.done $0x0  }
0x63: {  	s22 =	rddreg [dreg:$0xd];
	[sflag:s21] =	ssyncadd.s32 $0xFFFFFFB0  }
0x64: {  	[tilespmem:s28], [sflag:$0xD] =	stream.linear.gather [hbm4b:s22+s5], $0x50, $0x38;
	[tilespmem:$0x1F240] =	vst v63  }
0x65: {  	_ =	swait.ge [sflag:s21], $0x50  }
0x66: {  	[sflag:s21] =	ssyncset.done $0x0  }
0x67: {  	s23 =	rddreg [dreg:$0xe];
	[sflag:s21] =	ssyncadd.s32 $0xFFFFFFB0  }
0x68: {  	[tilespmem:s29], [sflag:$0xD] =	stream.linear.gather [hbm4b:s23+s5], $0x50, $0x38;
	[tilespmem:$0x1F240] =	vst v63  }
0x69: {  	_ =	swait.ge [sflag:s21], $0x50  }
0x6a: {  	[sflag:s21] =	ssyncset.done $0x0  }
0x6b: {  	[sflag:s21] =	ssyncadd.s32 $0xFFFFFFB0  }
0x6c: {  	[tilespmem:s31], [sflag:$0x4] =	stream.indirect.gather [hbm4b:s1+s30], $0x80, s26, s30, $0xb8;
	[tilespmem:$0x1F240] =	vst v63  }
0x6d: {  	_ = 	snop  }
0x6e: {  	[tilespmem:s0], [sflag:$0x5] =	stream.indirect.gather [hbm4b:s1+s30], $0x80, s28, s30, $0xb8;
	[tilespmem:$0x1F240] =	vst v63  }
0x6f: {  	_ = 	snop  }
0x70: {  	[tilespmem:s2], [sflag:$0x6] =	stream.indirect.gather [hbm4b:s1+s30], $0x80, s29, s30, $0xb8;
	[tilespmem:$0x1F240] =	vst v63  }
0x71: {  	[bflag:$0x0] =	sbarrier.arrive $0xFFFF  }
0x72: {  	_ =	swait.ge [sflag:s6], $0x2800  }
0x73: {  	[sflag:s6] =	ssyncset.done $0x0  }
0x74: {  	s24 =	rddreg [dreg:$0xf];
	[sflag:s6] =	ssyncadd.s32 $0xFFFFD800  }
0x75: {  	[spmem:s3] =	stream.indirect.scatter.add.f32 [tilespmem:s31], [sflag:$0x7], $0x80, s11, s30, $0xb8;
	[tilespmem:$0x1F240] =	vst v63  }
0x76: {  	s17 =	rddreg [dreg:$0x15]  }
0x77: {  	[spmem:s4] =	stream.indirect.scatter.add.f32 [tilespmem:s25], [sflag:$0xA], $0x8, s11, s30, $0xb8;
	[tilespmem:$0x1F240] =	vst v63  }
0x78: {  	s22 =	rddreg [dreg:$0x13]  }
0x79: {  	[tilespmem:s26], [sflag:$0x1] =	stream.linear.gather [hbm4b:s24+s5], $0x50, $0x38;
	[tilespmem:$0x1F240] =	vst v63  }
0x7a: {  	s9 =	simm.s32 $0x0;
	s24 =	rddreg [dreg:$0x14]  }
.LBB2_2:
0x7b: {  	_ =	swait.ge [sflag:s7], $0x2800  }
0x7c: {  	s11 =	sshra.s32 s9, $0x2;
	[sflag:s7] =	ssyncset.done $0x0  }
0x7d: {  	s21 =	sadd.s32 $0x15010, s11;
	[sflag:s7] =	ssyncadd.s32 $0xFFFFD800  }
0x7e: {  	[spmem:s3] =	stream.indirect.scatter.add.f32 [tilespmem:s0], [sflag:$0x8], $0x80, s21, s30, $0xb8;
	[tilespmem:$0x1F240] =	vst v63  }
0x7f: {  	_ = 	snop  }
0x80: {  	[spmem:s4] =	stream.indirect.scatter.add.f32 [tilespmem:s25], [sflag:$0xB], $0x8, s21, s30, $0xb8;
	[tilespmem:$0x1F240] =	vst v63  }
0x81: {  	_ = 	snop  }
0x82: {  	[tilespmem:s28], [sflag:$0x2] =	stream.linear.gather [hbm4b:s17+s5], $0x50, $0x38;
	[tilespmem:$0x1F240] =	vst v63  }
0x83: {  	_ =	swait.ge [sflag:s8], $0x50  }
0x84: {  	[sflag:s8] =	ssyncset.done $0x0  }
0x85: {  	[sflag:s8] =	ssyncadd.s32 $0xFFFFFFB0  }
0x86: {  	_ =	swait.ge [sflag:s10], $0x2800  }
0x87: {  	[sflag:s10] =	ssyncset.done $0x0  }
0x88: {  	[sflag:s10] =	ssyncadd.s32 $0xFFFFD800  }
0x89: {  	_ =	swait.ge [sflag:s12], $0x280  }
0x8a: {  	[sflag:s12] =	ssyncset.done $0x0  }
0x8b: {  	[sflag:s12] =	ssyncadd.s32 $0xFFFFFD80  }
0x8c: {  	[tilespmem:s31], [sflag:$0x4] =	stream.indirect.gather [hbm4b:s1+s30], $0x80, s26, s30, $0xb8;
	[tilespmem:$0x1F240] =	vst v63  }
0x8d: {  	_ =	swait.ge [sflag:s13], $0x2800  }
0x8e: {  	[sflag:s13] =	ssyncset.done $0x0  }
0x8f: {  	s23 =	sadd.s32 $0x15060, s11;
	[sflag:s13] =	ssyncadd.s32 $0xFFFFD800  }
0x90: {  	[spmem:s3] =	stream.indirect.scatter.add.f32 [tilespmem:s2], [sflag:$0x9], $0x80, s23, s30, $0xb8;
	[tilespmem:$0x1F240] =	vst v63  }
0x91: {  	p0 =	seq.s32 s9, $0x9600  }
0x92: {  	[spmem:s4] =	stream.indirect.scatter.add.f32 [tilespmem:s25], [sflag:$0xC], $0x8, s23, s30, $0xb8;
	[tilespmem:$0x1F240] =	vst v63  }
0x93: {  	s21 =	simm.s32 @!p0 $0x0;
	s23 =	simm.s32 @!p0 $0x179F0  }
0x94: {  	[tilespmem:s23], [sflag:$0x3] =	stream.linear.gather @!p0 [hbm4b:s24+s21], $0x50, $0x38;
	[tilespmem:$0x1F240] =	vst v63  }
0x95: {  	_ =	swait.ge [sflag:s14], $0x50  }
0x96: {  	[sflag:s14] =	ssyncset.done $0x0  }
0x97: {  	[sflag:s14] =	ssyncadd.s32 $0xFFFFFFB0  }
0x98: {  	_ =	swait.ge [sflag:s15], $0x2800  }
0x99: {  	[sflag:s15] =	ssyncset.done $0x0  }
0x9a: {  	[sflag:s15] =	ssyncadd.s32 $0xFFFFD800  }
0x9b: {  	_ =	swait.ge [sflag:s16], $0x280  }
0x9c: {  	[sflag:s16] =	ssyncset.done $0x0  }
0x9d: {  	[sflag:s16] =	ssyncadd.s32 $0xFFFFFD80  }
0x9e: {  	[tilespmem:s0], [sflag:$0x5] =	stream.indirect.gather [hbm4b:s1+s30], $0x80, s28, s30, $0xb8;
	[tilespmem:$0x1F240] =	vst v63  }
0x9f: {  	_ =	swait.ge [sflag:s6], $0x2800  }
.Ltmp2:
0xa0: {  	[sflag:s6] =	ssyncset.done $0x0;
	(pc) =	sbr.rel @p0 .LBB2_4-.Ltmp2, $4  }
0xa1: {  	s11 =	sadd.s32 $0x150B0, s11;
	[sflag:s6] =	ssyncadd.s32 $0xFFFFD800  }
0xa2: {  	[spmem:s3] =	stream.indirect.scatter.add.f32 [tilespmem:s31], [sflag:$0x7], $0x80, s11, s30, $0xb8;
	[tilespmem:$0x1F240] =	vst v63  }
0xa3: {  	_ = 	snop  }
0xa4: {  	[spmem:s4] =	stream.indirect.scatter.add.f32 [tilespmem:s25], [sflag:$0xA], $0x8, s11, s30, $0xb8;
	[tilespmem:$0x1F240] =	vst v63  }
0xa5: {  	[tilespmem:s26], [sflag:$0x1] =	stream.linear.gather [hbm4b:s22+s5], $0x50, $0x38;
	[tilespmem:$0x1F240] =	vst v63  }
0xa6: {  	_ =	swait.ge [sflag:s20], $0x50  }
0xa7: {  	[sflag:s20] =	ssyncset.done $0x0  }
0xa8: {  	[sflag:s20] =	ssyncadd.s32 $0xFFFFFFB0  }
0xa9: {  	_ =	swait.ge [sflag:s18], $0x2800  }
0xaa: {  	[sflag:s18] =	ssyncset.done $0x0  }
.Ltmp3:
0xab: {  	[sflag:s18] =	ssyncadd.s32 $0xFFFFD800;
	(pc) =	sbr.rel .LBB2_2-.Ltmp3, $4  }
0xac: {  	_ =	swait.ge [sflag:s19], $0x280  }
0xad: {  	s9 =	sadd.s32 $0x3C0, s9;
	s22 =	sadd.s32 $0x1E, s22;
	[sflag:s19] =	ssyncset.done $0x0  }
0xae: {  	s24 =	sadd.s32 $0x1E, s24;
	s17 =	sadd.s32 $0x1E, s17;
	[sflag:s19] =	ssyncadd.s32 $0xFFFFFD80  }
0xaf: {  	[tilespmem:s2], [sflag:$0x6] =	stream.indirect.gather [hbm4b:s1+s30], $0x80, s29, s30, $0xb8;
	[tilespmem:$0x1F240] =	vst v63  }
.LBB2_5:
0xb0: {  	_ =	sfence.sel $0x180000  }
0xb1: {  	[bflag:$0x0] =	sbarrier.arrive $0xFFFF  }
0xb2: {  	_ =	strace $0x90000047  }
0xb3: {  	s0 =	stileid.u32;
	[bflag:$0x2] =	sbarrier.arrive $0xFFFF  }
0xb4: {  	p0 =	sne.s32 s0, $0x0;
	s0 =	rddreg [dreg:$0x5]  }
0xb5: {  	s0 =	sadd.s32 @!p0 $0x100000, s0  }
0xb6: {  	[sflag:s0] =	ssyncadd.tile.s32 @!p0 $0x1;
	_ =	shalt  }
.Lfunc_end2:
_tile_overlayer_lowered:
.L_overlay_start_2:
0xb7: {  	(tag) =	ssettag $0x2  }
0xb8: {  	s0 =	rddreg [dreg:$0x0];
	s2 =	stileid.u32  }
0xb9: {  	s1 =	rddreg [dreg:$0x1];
	p0 =	sne.s32 s2, $0x0  }
0xba: {  	s3 =	rddreg [dreg:$0x2];
	[bflag:$0x3] =	sbarrier.arrive $0xFFFF;
	s2 =	simm.s32 @!p0 $0x1C0D  }
0xbb: {  	[timem:s3], [sflag:s2] =	dma.local @!p0 [hbm:s0], s1  }
0xbc: {  	s0 =	simm.s32 @!p0 $0xD  }
0xbd: {  	_ =	swait.ge @!p0 [sflag:s0], s1  }
0xbe: {  	s1 =	ssub.s32 @!p0 $0x0, s1;
	[sflag:s0] =	ssyncset.done @!p0 $0x0  }
0xbf: {  	[sflag:s0] =	ssyncadd.s32 @!p0 s1  }
0xc0: {  	[bflag:$0x3] =	sbarrier.arrive $0xFFFF  }
0xc1: {  	_ =	shalt  }

</sc_bundles>
